<compile_context>
chip_gen: v7x
topology: tpu7x:2x2x1
jax: 0.10.2.dev20260603
libtpu: 0.0.44.dev20260713+nightly
codegen_flags: <defaults>
</compile_context>

<pallas_src>
import functools

import jax
import jax.numpy as jnp
from jax import lax
from jax.experimental import pallas as pl
from jax.experimental.pallas import tpu as pltpu
from jax.experimental.pallas import tpu_sc as plsc

N = 10000
NP = 10240
E = 160000
D = 256
H = 128
NC = 2
NS = 16
EP = 163840
EPS = EP // NS
C = 80
NCHUNK = EPS // C
RPS = NP // NS
ZR = 64
DW = 16

_mesh = plsc.VectorSubcoreMesh(core_axis_name="c", subcore_axis_name="s",
                               num_cores=NC, num_subcores=NS)


def _sc_agg_body(xs, srcs3, dst4, summed,
                 srcidx_all, dstidx_all, rows0, rows1,
                 semg0, semg1, sems0, sems1, acc):
    c = lax.axis_index("c")
    s = lax.axis_index("s")

    rows = (rows0, rows1)
    semg = (semg0, semg1)
    sems = (sems0, sems1)

    zero16 = jnp.zeros((16,), jnp.float32)

    def fill(i, _):
        for j in range(H // 16):
            rows0[i, pl.ds(j * 16, 16)] = zero16
        return 0
    lax.fori_loop(0, C, fill, 0)

    pltpu.sync_copy(srcs3.at[c, s], srcidx_all)
    pltpu.sync_copy(dst4.at[s], dstidx_all)

    row0 = s * RPS
    for t in range(RPS // C):
        pltpu.sync_copy(rows0, acc.at[pl.ds(row0 + t * C, C)])
    plsc.subcore_barrier()

    def gather(k, b):
        pltpu.async_copy(xs.at[srcidx_all.at[pl.ds(k * C, C)]], rows[b],
                         semg[b])

    def gwait(b):
        pltpu.make_async_copy(xs.at[pl.ds(0, C)], rows[b], semg[b]).wait()

    def swait(b):
        pltpu.make_async_copy(xs.at[pl.ds(0, C)], rows[b], sems[b]).wait()

    gather(0, 0)

    def pair(k2, _):
        for b in range(2):
            k = k2 * 2 + b

            @pl.when(k + 1 < NCHUNK)
            def _():
                @pl.when(k >= 1)
                def _():
                    swait(1 - b)
                gather(k + 1, 1 - b)
            gwait(b)
            pltpu.async_copy(rows[b], acc.at[dstidx_all.at[k]], sems[b],
                             add=True)
        return 0
    lax.fori_loop(0, NCHUNK // 2, pair, 0)
    for b in range(2):
        swait(b)
    plsc.subcore_barrier()

    pltpu.sync_copy(acc.at[pl.ds(row0, RPS)],
                    summed.at[pl.ds(c * NP + row0, RPS)])


_sc_agg = pl.kernel(
    _sc_agg_body,
    out_type=(jax.ShapeDtypeStruct((NC * NP, H), jnp.float32),),
    mesh=_mesh,
    scratch_types=[
        pltpu.VMEM((EPS,), jnp.int32),
        pltpu.VMEM((NCHUNK, C), jnp.int32),
        pltpu.VMEM((C, H), jnp.float32),
        pltpu.VMEM((C, H), jnp.float32),
        pltpu.SemaphoreType.DMA,
        pltpu.SemaphoreType.DMA,
        pltpu.SemaphoreType.DMA,
        pltpu.SemaphoreType.DMA,
        pltpu.VMEM_SHARED((NP, H), jnp.float32),
    ],
)


QR = NP // 8
EPD = EP // (NC * NS)
CD = 80
NCHD = EPD // CD
DRPS = QR // NS


def _sc_deg_body(dstp, onest, deg,
                 dstidx0, dstidx1, qidx0, qidx1, rows0, rows1,
                 semg, sems0, sems1, degacc, onessp):
    c = lax.axis_index("c")
    s = lax.axis_index("s")

    dstidx = (dstidx0, dstidx1)
    qidx = (qidx0, qidx1)
    rows = (rows0, rows1)
    sems = (sems0, sems1)

    zero16 = jnp.zeros((16,), jnp.float32)

    def fill(i, _):
        for j in range(H // 16):
            rows0[i, pl.ds(j * 16, 16)] = zero16
        return 0
    lax.fori_loop(0, CD, fill, 0)

    row0 = s * DRPS
    pltpu.sync_copy(rows0.at[pl.ds(0, DRPS)], degacc.at[pl.ds(row0, DRPS)])
    @pl.when(s == 0)
    def _():
        pltpu.sync_copy(onest, onessp)
    plsc.subcore_barrier()

    ebase = (c * NS + s) * EPD

    def half(k, b):
        @pl.when(k >= 2)
        def _():
            pltpu.make_async_copy(deg.at[pl.ds(0, CD)], rows[b], sems[b]).wait()
        pltpu.sync_copy(dstp.at[pl.ds(ebase + k * CD, CD)], dstidx[b])
        for j in range(CD // 16):
            d = dstidx[b][pl.ds(j * 16, 16)]
            qidx[b][pl.ds(j * 16, 16)] = jax.lax.shift_right_logical(d, 3)
            dstidx[b][pl.ds(j * 16, 16)] = jnp.bitwise_and(d, 7)
        pltpu.async_copy(onessp.at[dstidx[b]], rows[b], semg).wait()
        pltpu.async_copy(rows[b], degacc.at[qidx[b]], sems[b], add=True)

    def chunk2(k2, _):
        half(k2 * 2, 0)
        half(k2 * 2 + 1, 1)
        return 0
    lax.fori_loop(0, NCHD // 2, chunk2, 0)
    for b in range(2):
        pltpu.make_async_copy(deg.at[pl.ds(0, CD)], rows[b], sems[b]).wait()
    plsc.subcore_barrier()

    pltpu.sync_copy(degacc.at[pl.ds(row0, DRPS)], rows0.at[pl.ds(0, DRPS)])
    pltpu.sync_copy(rows0.at[pl.ds(0, DRPS)], deg.at[pl.ds(c * QR + row0, DRPS)])


_sc_deg = pl.kernel(
    _sc_deg_body,
    out_type=(jax.ShapeDtypeStruct((NC * QR, H), jnp.float32),),
    mesh=_mesh,
    scratch_types=[
        pltpu.VMEM((CD,), jnp.int32),
        pltpu.VMEM((CD,), jnp.int32),
        pltpu.VMEM((CD,), jnp.int32),
        pltpu.VMEM((CD,), jnp.int32),
        pltpu.VMEM((CD, H), jnp.float32),
        pltpu.VMEM((CD, H), jnp.float32),
        pltpu.SemaphoreType.DMA,
        pltpu.SemaphoreType.DMA,
        pltpu.SemaphoreType.DMA,
        pltpu.VMEM_SHARED((QR, H), jnp.float32),
        pltpu.VMEM_SHARED((8, H), jnp.float32),
    ],
)


R = 512
G = NP // R


def _tc_self_body(xa, xb, ws, b, o):
    f32 = jnp.float32
    o[...] = (jnp.dot(xa[...], ws[0:H, :], preferred_element_type=f32)
              + jnp.dot(xb[...], ws[H:D, :], preferred_element_type=f32)
              + b[...])


_tc_self = pl.pallas_call(
    _tc_self_body,
    grid=(G,),
    in_specs=[
        pl.BlockSpec((R, H), lambda i: (i, 0)),
        pl.BlockSpec((R, H), lambda i: (i + G, 0)),
        pl.BlockSpec((D, D), lambda i: (0, 0)),
        pl.BlockSpec((1, D), lambda i: (0, 0)),
    ],
    out_specs=pl.BlockSpec((R, D), lambda i: (i, 0)),
    out_shape=jax.ShapeDtypeStruct((NP, D), jnp.float32),
)


def _tc_neigh_body(p, sa, sb, d0, d1, wn, flag, o1, o2):
    dsum = d0[...] + d1[...]
    degn = dsum.reshape(R // 8, 8, 16)[:, :, 0].reshape(R, 1)
    invd = 1.0 / jnp.maximum(degn, 1.0)
    f32 = jnp.float32
    h = (p[...]
         + jnp.dot(sa[...] * invd, wn[0:H, :], preferred_element_type=f32)
         + jnp.dot(sb[...] * invd, wn[H:D, :], preferred_element_type=f32))
    h = jnp.where(flag[0, 0] > 0.5, jnp.maximum(h, 0.0), h)
    o1[...] = h[:, 0:H]
    o2[...] = h[:, H:D]


_tc_neigh = pl.pallas_call(
    _tc_neigh_body,
    grid=(G,),
    in_specs=[
        pl.BlockSpec((R, D), lambda i: (i, 0)),
        pl.BlockSpec((R, H), lambda i: (i, 0)),
        pl.BlockSpec((R, H), lambda i: (i + G, 0)),
        pl.BlockSpec((R // 8, H), lambda i: (i, 0)),
        pl.BlockSpec((R // 8, H), lambda i: (i + G, 0)),
        pl.BlockSpec((D, D), lambda i: (0, 0)),
        pl.BlockSpec((1, 1), lambda i: (0, 0)),
    ],
    out_specs=(pl.BlockSpec((R, H), lambda i: (i, 0)),
               pl.BlockSpec((R, H), lambda i: (i, 0))),
    out_shape=(jax.ShapeDtypeStruct((NP, H), jnp.float32),
               jax.ShapeDtypeStruct((NP, H), jnp.float32)),
)


@jax.jit
def kernel(x, edge_index, W_self1, W_neigh1, b1, W_self2, W_neigh2, b2):
    xp = jnp.pad(x, ((0, NP - N), (0, 0)))
    xs = xp.reshape(NP, NC, H).transpose(1, 0, 2).reshape(NC * NP, H)
    src = edge_index[0]
    dst = edge_index[1]
    srcp = jnp.pad(src, (0, EP - E), constant_values=NP - 1)
    srcs3 = (jnp.concatenate([srcp, srcp + NP]).astype(jnp.int32)
             .reshape(NC, NS, EPS))
    dstp = jnp.pad(dst, (0, EP - E), constant_values=NP - 1).astype(jnp.int32)
    dst4 = dstp.reshape(NS, NCHUNK, C)
    onest = jnp.repeat(jnp.eye(8, dtype=jnp.float32), H // 8, axis=1)
    (deg,) = _sc_deg(dstp, onest)

    wss = jnp.stack([W_self1, W_self2])
    wns = jnp.stack([W_neigh1, W_neigh2])
    bss = jnp.stack([b1.reshape(1, D), b2.reshape(1, D)])
    flags = jnp.array([[[1.0]], [[0.0]]], dtype=jnp.float32)

    def body(hs, per):
        wsi, wni, bi, fl = per
        (summed,) = _sc_agg(hs, srcs3, dst4)
        p = _tc_self(hs, hs, wsi, bi)
        o1, o2 = _tc_neigh(p, summed, summed, deg, deg, wni, fl)
        return jnp.concatenate([o1, o2], axis=0), None

    hs_final, _ = lax.scan(body, xs, (wss, wns, bss, flags))
    return jnp.concatenate([hs_final[:N], hs_final[NP:NP + N]], axis=1)

# --- scband reference (transcript-rebuilt; emitter-appended) ---
"""Pipeline reference for scband-sage-14104672600850 (READ-ONLY COPY).

The authoritative reference and input builder live on the scoring server;
editing this copy changes nothing except your own understanding.
"""

import jax, jax.numpy as jnp
import numpy as np

N = 10000
E = 160000
D_IN = 256
D_H = 256


def setup_inputs(seed: int = 0) -> dict:
    key = jax.random.key(seed)
    ks = jax.random.split(key, 9)
    x = jax.random.normal(ks[0], (N, D_IN), dtype=jnp.float32)
    edge_index = jax.random.randint(ks[1], (2, E), 0, N, dtype=jnp.int32)
    s_in = 1.0 / np.sqrt(D_IN)
    s_h = 1.0 / np.sqrt(D_H)
    W_self1 = jax.random.normal(ks[2], (D_IN, D_H), dtype=jnp.float32) * s_in
    W_neigh1 = jax.random.normal(ks[3], (D_IN, D_H), dtype=jnp.float32) * s_in
    b1 = jnp.zeros((D_H,), dtype=jnp.float32)
    W_self2 = jax.random.normal(ks[4], (D_H, D_H), dtype=jnp.float32) * s_h
    W_neigh2 = jax.random.normal(ks[5], (D_H, D_H), dtype=jnp.float32) * s_h
    b2 = jnp.zeros((D_H,), dtype=jnp.float32)
    return {"x": x, "edge_index": edge_index,
            "W_self1": W_self1, "W_neigh1": W_neigh1, "b1": b1,
            "W_self2": W_self2, "W_neigh2": W_neigh2, "b2": b2}


def _sage_mean_layer(x, edge_index, W_self, W_neigh, b):
    # DGL SAGEConv with 'mean' aggregator:
    #   h_neigh = mean_{j in N_in(i)} x_j ; out = x @ W_self + h_neigh @ W_neigh + b
    src = edge_index[0]
    dst = edge_index[1]
    msgs = jnp.take(x, src, axis=0)                       # gather   [E, d]
    summed = jax.ops.segment_sum(msgs, dst, num_segments=N)  # scatter-add
    deg = jax.ops.segment_sum(jnp.ones((E,), dtype=x.dtype), dst, num_segments=N)
    h_neigh = summed / jnp.clip(deg, 1.0, None)[:, None]
    return x @ W_self + h_neigh @ W_neigh + b


def reference(x, edge_index, W_self1, W_neigh1, b1, W_self2, W_neigh2, b2):
    # Two SAGEConv layers with ReLU between (as in SAGE.forward over 2 blocks)
    h = _sage_mean_layer(x, edge_index, W_self1, W_neigh1, b1)
    h = jax.nn.relu(h)
    out = _sage_mean_layer(h, edge_index, W_self2, W_neigh2, b2)
    return out

if __name__ == "__main__":
    import jax
    _d = setup_inputs()
    print(jax.jit(kernel)(*tuple(_d.values())))

</pallas_src>

<mosaic_0001>
#map = affine_map<(d0, d1) -> (0)>
#map1 = affine_map<(d0, d1) -> (0, 0)>
module attributes {stable_mosaic.version = 14 : i64} {
  func.func @_sc_deg_body(%arg0: i32, %arg1: i32, %arg2: memref<163840xi32, #tpu.memory_space<hbm>>, %arg3: memref<8x128xf32, #tpu.memory_space<hbm>>, %arg4: memref<2560x128xf32, #tpu.memory_space<hbm>>, %arg5: memref<80xi32, #tpu.memory_space<vmem>>, %arg6: memref<80xi32, #tpu.memory_space<vmem>>, %arg7: memref<80xi32, #tpu.memory_space<vmem>>, %arg8: memref<80xi32, #tpu.memory_space<vmem>>, %arg9: memref<80x128xf32, #tpu.memory_space<vmem>>, %arg10: memref<80x128xf32, #tpu.memory_space<vmem>>, %arg11: memref<!tpu.dma_semaphore, #tpu.memory_space<semaphore_mem>>, %arg12: memref<!tpu.dma_semaphore, #tpu.memory_space<semaphore_mem>>, %arg13: memref<!tpu.dma_semaphore, #tpu.memory_space<semaphore_mem>>, %arg14: memref<1280x128xf32, #tpu.memory_space<vmem_shared>>, %arg15: memref<8x128xf32, #tpu.memory_space<vmem_shared>>) attributes {dimension_semantics = [#tpu.dimension_semantics<core_parallel>, #tpu.dimension_semantics<subcore_parallel>], iteration_bounds = array<i64: 2, 16>, scalar_prefetch = 0 : i64, scratch_operands = 11 : i64, tpu.core_type = #tpu.core_type<sc_vector_subcore>, window_params = [{transform_indices = #map}, {transform_indices = #map1}, {transform_indices = #map1}]} {
    %broadcast_in_dim3A = arith.constant 0.000000e+00 : f32
    %broadcast_in_dim3A_0 = vector.broadcast %broadcast_in_dim3A : f32 to vector<16xf32>
    %scan3A = arith.constant 0 : i32
    %scan3A_1 = arith.constant 0 : i32
    %scan3A_2 = arith.constant 80 : i32
    %scan3A_3 = arith.addi %scan3A_1, %scan3A_2 : i32
    %scan3A_4 = arith.constant 1 : i32
    %scan3A_5 = scf.for %scan3A_36 = %scan3A_1 to %scan3A_3 step %scan3A_4 iter_args(%scan3A_37 = %scan3A) -> (i32)  : i32 {
      %swap3A = arith.index_cast %scan3A_36 : i32 to index
      %swap3A_38 = arith.constant 0 : index
      %swap3A_39 = tpu.vector_load %arg9[%swap3A, %swap3A_38] {strides = array<i32>} : memref<80x128xf32, #tpu.memory_space<vmem>>, vector<1x16xf32>,
      %swap3A_40 = vector.shape_cast %swap3A_39 : vector<1x16xf32> to vector<16xf32>
      %swap3A_41 = vector.shape_cast %broadcast_in_dim3A_0 : vector<16xf32> to vector<1x16xf32>
      tpu.vector_store %arg9[%swap3A, %swap3A_38], %swap3A_41 {strides = array<i32>} : memref<80x128xf32, #tpu.memory_space<vmem>>, vector<1x16xf32>,
      %swap3A_42 = arith.index_cast %scan3A_36 : i32 to index
      %swap3A_43 = arith.constant 16 : index
      %swap3A_44 = tpu.vector_load %arg9[%swap3A_42, %swap3A_43] {strides = array<i32>} : memref<80x128xf32, #tpu.memory_space<vmem>>, vector<1x16xf32>,
      %swap3A_45 = vector.shape_cast %swap3A_44 : vector<1x16xf32> to vector<16xf32>
      %swap3A_46 = vector.shape_cast %broadcast_in_dim3A_0 : vector<16xf32> to vector<1x16xf32>
      tpu.vector_store %arg9[%swap3A_42, %swap3A_43], %swap3A_46 {strides = array<i32>} : memref<80x128xf32, #tpu.memory_space<vmem>>, vector<1x16xf32>,
      %swap3A_47 = arith.index_cast %scan3A_36 : i32 to index
      %swap3A_48 = arith.constant 32 : index
      %swap3A_49 = tpu.vector_load %arg9[%swap3A_47, %swap3A_48] {strides = array<i32>} : memref<80x128xf32, #tpu.memory_space<vmem>>, vector<1x16xf32>,
      %swap3A_50 = vector.shape_cast %swap3A_49 : vector<1x16xf32> to vector<16xf32>
      %swap3A_51 = vector.shape_cast %broadcast_in_dim3A_0 : vector<16xf32> to vector<1x16xf32>
      tpu.vector_store %arg9[%swap3A_47, %swap3A_48], %swap3A_51 {strides = array<i32>} : memref<80x128xf32, #tpu.memory_space<vmem>>, vector<1x16xf32>,
      %swap3A_52 = arith.index_cast %scan3A_36 : i32 to index
      %swap3A_53 = arith.constant 48 : index
      %swap3A_54 = tpu.vector_load %arg9[%swap3A_52, %swap3A_53] {strides = array<i32>} : memref<80x128xf32, #tpu.memory_space<vmem>>, vector<1x16xf32>,
      %swap3A_55 = vector.shape_cast %swap3A_54 : vector<1x16xf32> to vector<16xf32>
      %swap3A_56 = vector.shape_cast %broadcast_in_dim3A_0 : vector<16xf32> to vector<1x16xf32>
      tpu.vector_store %arg9[%swap3A_52, %swap3A_53], %swap3A_56 {strides = array<i32>} : memref<80x128xf32, #tpu.memory_space<vmem>>, vector<1x16xf32>,
      %swap3A_57 = arith.index_cast %scan3A_36 : i32 to index
      %swap3A_58 = arith.constant 64 : index
      %swap3A_59 = tpu.vector_load %arg9[%swap3A_57, %swap3A_58] {strides = array<i32>} : memref<80x128xf32, #tpu.memory_space<vmem>>, vector<1x16xf32>,
      %swap3A_60 = vector.shape_cast %swap3A_59 : vector<1x16xf32> to vector<16xf32>
      %swap3A_61 = vector.shape_cast %broadcast_in_dim3A_0 : vector<16xf32> to vector<1x16xf32>
      tpu.vector_store %arg9[%swap3A_57, %swap3A_58], %swap3A_61 {strides = array<i32>} : memref<80x128xf32, #tpu.memory_space<vmem>>, vector<1x16xf32>,
      %swap3A_62 = arith.index_cast %scan3A_36 : i32 to index
      %swap3A_63 = arith.constant 80 : index
      %swap3A_64 = tpu.vector_load %arg9[%swap3A_62, %swap3A_63] {strides = array<i32>} : memref<80x128xf32, #tpu.memory_space<vmem>>, vector<1x16xf32>,
      %swap3A_65 = vector.shape_cast %swap3A_64 : vector<1x16xf32> to vector<16xf32>
      %swap3A_66 = vector.shape_cast %broadcast_in_dim3A_0 : vector<16xf32> to vector<1x16xf32>
      tpu.vector_store %arg9[%swap3A_62, %swap3A_63], %swap3A_66 {strides = array<i32>} : memref<80x128xf32, #tpu.memory_space<vmem>>, vector<1x16xf32>,
      %swap3A_67 = arith.index_cast %scan3A_36 : i32 to index
      %swap3A_68 = arith.constant 96 : index
      %swap3A_69 = tpu.vector_load %arg9[%swap3A_67, %swap3A_68] {strides = array<i32>} : memref<80x128xf32, #tpu.memory_space<vmem>>, vector<1x16xf32>,
      %swap3A_70 = vector.shape_cast %swap3A_69 : vector<1x16xf32> to vector<16xf32>
      %swap3A_71 = vector.shape_cast %broadcast_in_dim3A_0 : vector<16xf32> to vector<1x16xf32>
      tpu.vector_store %arg9[%swap3A_67, %swap3A_68], %swap3A_71 {strides = array<i32>} : memref<80x128xf32, #tpu.memory_space<vmem>>, vector<1x16xf32>,
      %swap3A_72 = arith.index_cast %scan3A_36 : i32 to index
      %swap3A_73 = arith.constant 112 : index
      %swap3A_74 = tpu.vector_load %arg9[%swap3A_72, %swap3A_73] {strides = array<i32>} : memref<80x128xf32, #tpu.memory_space<vmem>>, vector<1x16xf32>,
      %swap3A_75 = vector.shape_cast %swap3A_74 : vector<1x16xf32> to vector<16xf32>
      %swap3A_76 = vector.shape_cast %broadcast_in_dim3A_0 : vector<16xf32> to vector<1x16xf32>
      tpu.vector_store %arg9[%swap3A_72, %swap3A_73], %swap3A_76 {strides = array<i32>} : memref<80x128xf32, #tpu.memory_space<vmem>>, vector<1x16xf32>,
      %scan3A_77 = arith.constant 0 : i32
      scf.yield %scan3A_77 : i32
    }
    %scan3A_6 = arith.constant 80 : i32
    %mul3A = arith.constant 80 : i32
    %mul3A_7 = arith.muli %arg1, %mul3A : i32
    "tpu.region"() ({
      %run_scoped3A = tpu.sem_alloc : memref<!tpu.dma_semaphore, #tpu.memory_space<semaphore_mem>>
      %dma_start3A = arith.constant 0 : i32
      %dma_start3A_36 = arith.constant 0 : i32
      %dma_start3A_37 = tpu.memref_slice %arg9[%dma_start3A, %dma_start3A_36] : memref<80x128xf32, #tpu.memory_space<vmem>> -> memref<80x128xf32, #tpu.memory_space<vmem>>
      %dma_start3A_38 = arith.constant 0 : i32
      %dma_start3A_39 = tpu.memref_slice %arg14[%mul3A_7, %dma_start3A_38] : memref<1280x128xf32, #tpu.memory_space<vmem_shared>> -> memref<80x128xf32, #tpu.memory_space<vmem_shared>>
      %dma_start3A_40 = arith.constant 0 : i32
      %dma_start3A_41 = tpu.memref_slice %arg14[%mul3A_7, %dma_start3A_40] : memref<1280x128xf32, #tpu.memory_space<vmem_shared>> -> memref<80x128xf32, #tpu.memory_space<vmem_shared>>
      %dma_start3A_42 = arith.constant 0 : i32
      %dma_start3A_43 = arith.constant 0 : i32
      %dma_start3A_44 = tpu.memref_slice %arg9[%dma_start3A_42, %dma_start3A_43] : memref<80x128xf32, #tpu.memory_space<vmem>> -> memref<80x128xf32, #tpu.memory_space<vmem>>
      tpu.enqueue_dma source(%dma_start3A_44 : memref<80x128xf32, #tpu.memory_space<vmem>>) target(%dma_start3A_41 : memref<80x128xf32, #tpu.memory_space<vmem_shared>>) target_semaphore(%run_scoped3A : memref<!tpu.dma_semaphore, #tpu.memory_space<semaphore_mem>>)
      %dma_wait3A_45 = arith.constant 0 : i32
      %dma_wait3A_46 = arith.constant 0 : i32
      %dma_wait3A_47 = tpu.memref_slice %arg9[%dma_wait3A_45, %dma_wait3A_46] : memref<80x128xf32, #tpu.memory_space<vmem>> -> memref<80x128xf32, #tpu.memory_space<vmem>>
      %dma_wait3A_48 = arith.constant 0 : i32
      %dma_wait3A_49 = tpu.memref_slice %arg14[%mul3A_7, %dma_wait3A_48] : memref<1280x128xf32, #tpu.memory_space<vmem_shared>> -> memref<80x128xf32, #tpu.memory_space<vmem_shared>>
      %dma_wait3A_50 = arith.constant 0 : i32
      %dma_wait3A_51 = tpu.memref_slice %arg14[%mul3A_7, %dma_wait3A_50] : memref<1280x128xf32, #tpu.memory_space<vmem_shared>> -> memref<80x128xf32, #tpu.memory_space<vmem_shared>>
      %dma_wait3A_52 = arith.constant 0 : i32
      %dma_wait3A_53 = arith.constant 0 : i32
      %dma_wait3A_54 = tpu.memref_slice %arg9[%dma_wait3A_52, %dma_wait3A_53] : memref<80x128xf32, #tpu.memory_space<vmem>> -> memref<80x128xf32, #tpu.memory_space<vmem>>
      tpu.wait_dma2 semaphore(%run_scoped3A : memref<!tpu.dma_semaphore, #tpu.memory_space<semaphore_mem>>) src(%dma_wait3A_54 : memref<80x128xf32, #tpu.memory_space<vmem>>) dst(%dma_wait3A_51 : memref<80x128xf32, #tpu.memory_space<vmem_shared>>)
      tpu.yield
    }) : () -> ()
    %eq3A = arith.constant 0 : i32
    %eq3A_8 = arith.cmpi eq, %arg1, %eq3A : i32
    %convert_element_type3A = arith.extui %eq3A_8 : i1 to i32
    %cond3A = arith.constant 0 : i32
    %cond3A_9 = arith.cmpi ne, %convert_element_type3A, %cond3A : i32
    scf.if %cond3A_9 {
      "tpu.region"() ({
        %run_scoped3A = tpu.sem_alloc : memref<!tpu.dma_semaphore, #tpu.memory_space<semaphore_mem>>
        tpu.enqueue_dma source(%arg3 : memref<8x128xf32, #tpu.memory_space<hbm>>) target(%arg15 : memref<8x128xf32, #tpu.memory_space<vmem_shared>>) target_semaphore(%run_scoped3A : memref<!tpu.dma_semaphore, #tpu.memory_space<semaphore_mem>>)
        tpu.wait_dma2 semaphore(%run_scoped3A : memref<!tpu.dma_semaphore, #tpu.memory_space<semaphore_mem>>) src(%arg3 : memref<8x128xf32, #tpu.memory_space<hbm>>) dst(%arg15 : memref<8x128xf32, #tpu.memory_space<vmem_shared>>)
        tpu.yield
      }) : () -> ()
    } else {
    }
    %barrier3A = arith.constant 0 : index
    tpu.barrier barrier_id(%barrier3A)
    %mul3A_10 = arith.constant 16 : i32
    %mul3A_11 = arith.muli %arg0, %mul3A_10 : i32
    %add3A = arith.addi %mul3A_11, %arg1 : i32
    %mul3A_12 = arith.constant 5120 : i32
    %mul3A_13 = arith.muli %add3A, %mul3A_12 : i32
    %scan3A_14 = arith.constant 0 : i32
    %scan3A_15 = arith.constant 0 : i32
    %scan3A_16 = arith.constant 32 : i32
    %scan3A_17 = arith.addi %scan3A_15, %scan3A_16 : i32
    %scan3A_18 = arith.constant 1 : i32
    %scan3A_19 = scf.for %scan3A_36 = %scan3A_15 to %scan3A_17 step %scan3A_18 iter_args(%scan3A_37 = %scan3A_14) -> (i32)  : i32 {
      %mul3A_38 = arith.constant 2 : i32
      %mul3A_39 = arith.muli %scan3A_36, %mul3A_38 : i32
      %ge3A = arith.constant 2 : i32
      %ge3A_40 = arith.cmpi sge, %mul3A_39, %ge3A : i32
      %convert_element_type3A_41 = arith.extui %ge3A_40 : i1 to i32
      %cond3A_42 = arith.constant 0 : i32
      %cond3A_43 = arith.cmpi ne, %convert_element_type3A_41, %cond3A_42 : i32
      scf.if %cond3A_43 {
        %dma_wait3A_243 = arith.constant 0 : i32
        %dma_wait3A_244 = arith.constant 0 : i32
        %dma_wait3A_245 = tpu.memref_slice %arg4[%dma_wait3A_243, %dma_wait3A_244] : memref<2560x128xf32, #tpu.memory_space<hbm>> -> memref<80x128xf32, #tpu.memory_space<hbm>>
        %dma_wait3A_246 = arith.constant 0 : i32
        %dma_wait3A_247 = arith.constant 0 : i32
        %dma_wait3A_248 = tpu.memref_slice %arg4[%dma_wait3A_246, %dma_wait3A_247] : memref<2560x128xf32, #tpu.memory_space<hbm>> -> memref<80x128xf32, #tpu.memory_space<hbm>>
        tpu.wait_dma2 semaphore(%arg12 : memref<!tpu.dma_semaphore, #tpu.memory_space<semaphore_mem>>) src(%dma_wait3A_248 : memref<80x128xf32, #tpu.memory_space<hbm>>) dst(%arg9 : memref<80x128xf32, #tpu.memory_space<vmem>>)
      } else {
      }
      %mul3A_44 = arith.constant 80 : i32
      %mul3A_45 = arith.muli %mul3A_39, %mul3A_44 : i32
      %add3A_46 = arith.addi %mul3A_13, %mul3A_45 : i32
      "tpu.region"() ({
        %run_scoped3A = tpu.sem_alloc : memref<!tpu.dma_semaphore, #tpu.memory_space<semaphore_mem>>
        %dma_start3A_243 = tpu.memref_slice %arg2[%add3A_46] : memref<163840xi32, #tpu.memory_space<hbm>> -> memref<80xi32, #tpu.memory_space<hbm>>
        %dma_start3A_244 = tpu.memref_slice %arg2[%add3A_46] : memref<163840xi32, #tpu.memory_space<hbm>> -> memref<80xi32, #tpu.memory_space<hbm>>
        tpu.enqueue_dma source(%dma_start3A_244 : memref<80xi32, #tpu.memory_space<hbm>>) target(%arg5 : memref<80xi32, #tpu.memory_space<vmem>>) target_semaphore(%run_scoped3A : memref<!tpu.dma_semaphore, #tpu.memory_space<semaphore_mem>>)
        %dma_wait3A_245 = tpu.memref_slice %arg2[%add3A_46] : memref<163840xi32, #tpu.memory_space<hbm>> -> memref<80xi32, #tpu.memory_space<hbm>>
        %dma_wait3A_246 = tpu.memref_slice %arg2[%add3A_46] : memref<163840xi32, #tpu.memory_space<hbm>> -> memref<80xi32, #tpu.memory_space<hbm>>
        tpu.wait_dma2 semaphore(%run_scoped3A : memref<!tpu.dma_semaphore, #tpu.memory_space<semaphore_mem>>) src(%dma_wait3A_246 : memref<80xi32, #tpu.memory_space<hbm>>) dst(%arg5 : memref<80xi32, #tpu.memory_space<vmem>>)
        tpu.yield
      }) : () -> ()
      %get3A = arith.constant 0 : index
      %get3A_47 = tpu.vector_load %arg5[%get3A] {strides = array<i32>} : memref<80xi32, #tpu.memory_space<vmem>>, vector<16xi32>,
      %get3A_48 = vector.shape_cast %get3A_47 : vector<16xi32> to vector<16xi32>
      %shift_right_logical3A = arith.constant 3 : i32
      %shift_right_logical3A_49 = vector.broadcast %shift_right_logical3A : i32 to vector<16xi32>
      %shift_right_logical3A_50 = arith.shrui %get3A_48, %shift_right_logical3A_49 : vector<16xi32>
      %swap3A = arith.constant 0 : index
      %swap3A_51 = tpu.vector_load %arg7[%swap3A] {strides = array<i32>} : memref<80xi32, #tpu.memory_space<vmem>>, vector<16xi32>,
      %swap3A_52 = vector.shape_cast %swap3A_51 : vector<16xi32> to vector<16xi32>
      %swap3A_53 = vector.shape_cast %shift_right_logical3A_50 : vector<16xi32> to vector<16xi32>
      tpu.vector_store %arg7[%swap3A], %swap3A_53 {strides = array<i32>} : memref<80xi32, #tpu.memory_space<vmem>>, vector<16xi32>,
      %and3A = arith.constant 7 : i32
      %and3A_54 = vector.broadcast %and3A : i32 to vector<16xi32>
      %and3A_55 = arith.andi %get3A_48, %and3A_54 : vector<16xi32>
      %swap3A_56 = arith.constant 0 : index
      %swap3A_57 = tpu.vector_load %arg5[%swap3A_56] {strides = array<i32>} : memref<80xi32, #tpu.memory_space<vmem>>, vector<16xi32>,
      %swap3A_58 = vector.shape_cast %swap3A_57 : vector<16xi32> to vector<16xi32>
      %swap3A_59 = vector.shape_cast %and3A_55 : vector<16xi32> to vector<16xi32>
      tpu.vector_store %arg5[%swap3A_56], %swap3A_59 {strides = array<i32>} : memref<80xi32, #tpu.memory_space<vmem>>, vector<16xi32>,
      %get3A_60 = arith.constant 16 : index
      %get3A_61 = tpu.vector_load %arg5[%get3A_60] {strides = array<i32>} : memref<80xi32, #tpu.memory_space<vmem>>, vector<16xi32>,
      %get3A_62 = vector.shape_cast %get3A_61 : vector<16xi32> to vector<16xi32>
      %shift_right_logical3A_63 = arith.constant 3 : i32
      %shift_right_logical3A_64 = vector.broadcast %shift_right_logical3A_63 : i32 to vector<16xi32>
      %shift_right_logical3A_65 = arith.shrui %get3A_62, %shift_right_logical3A_64 : vector<16xi32>
      %swap3A_66 = arith.constant 16 : index
      %swap3A_67 = tpu.vector_load %arg7[%swap3A_66] {strides = array<i32>} : memref<80xi32, #tpu.memory_space<vmem>>, vector<16xi32>,
      %swap3A_68 = vector.shape_cast %swap3A_67 : vector<16xi32> to vector<16xi32>
      %swap3A_69 = vector.shape_cast %shift_right_logical3A_65 : vector<16xi32> to vector<16xi32>
      tpu.vector_store %arg7[%swap3A_66], %swap3A_69 {strides = array<i32>} : memref<80xi32, #tpu.memory_space<vmem>>, vector<16xi32>,
      %and3A_70 = arith.constant 7 : i32
      %and3A_71 = vector.broadcast %and3A_70 : i32 to vector<16xi32>
      %and3A_72 = arith.andi %get3A_62, %and3A_71 : vector<16xi32>
      %swap3A_73 = arith.constant 16 : index
      %swap3A_74 = tpu.vector_load %arg5[%swap3A_73] {strides = array<i32>} : memref<80xi32, #tpu.memory_space<vmem>>, vector<16xi32>,
      %swap3A_75 = vector.shape_cast %swap3A_74 : vector<16xi32> to vector<16xi32>
      %swap3A_76 = vector.shape_cast %and3A_72 : vector<16xi32> to vector<16xi32>
      tpu.vector_store %arg5[%swap3A_73], %swap3A_76 {strides = array<i32>} : memref<80xi32, #tpu.memory_space<vmem>>, vector<16xi32>,
      %get3A_77 = arith.constant 32 : index
      %get3A_78 = tpu.vector_load %arg5[%get3A_77] {strides = array<i32>} : memref<80xi32, #tpu.memory_space<vmem>>, vector<16xi32>,
      %get3A_79 = vector.shape_cast %get3A_78 : vector<16xi32> to vector<16xi32>
      %shift_right_logical3A_80 = arith.constant 3 : i32
      %shift_right_logical3A_81 = vector.broadcast %shift_right_logical3A_80 : i32 to vector<16xi32>
      %shift_right_logical3A_82 = arith.shrui %get3A_79, %shift_right_logical3A_81 : vector<16xi32>
      %swap3A_83 = arith.constant 32 : index
      %swap3A_84 = tpu.vector_load %arg7[%swap3A_83] {strides = array<i32>} : memref<80xi32, #tpu.memory_space<vmem>>, vector<16xi32>,
      %swap3A_85 = vector.shape_cast %swap3A_84 : vector<16xi32> to vector<16xi32>
      %swap3A_86 = vector.shape_cast %shift_right_logical3A_82 : vector<16xi32> to vector<16xi32>
      tpu.vector_store %arg7[%swap3A_83], %swap3A_86 {strides = array<i32>} : memref<80xi32, #tpu.memory_space<vmem>>, vector<16xi32>,
      %and3A_87 = arith.constant 7 : i32
      %and3A_88 = vector.broadcast %and3A_87 : i32 to vector<16xi32>
      %and3A_89 = arith.andi %get3A_79, %and3A_88 : vector<16xi32>
      %swap3A_90 = arith.constant 32 : index
      %swap3A_91 = tpu.vector_load %arg5[%swap3A_90] {strides = array<i32>} : memref<80xi32, #tpu.memory_space<vmem>>, vector<16xi32>,
      %swap3A_92 = vector.shape_cast %swap3A_91 : vector<16xi32> to vector<16xi32>
      %swap3A_93 = vector.shape_cast %and3A_89 : vector<16xi32> to vector<16xi32>
      tpu.vector_store %arg5[%swap3A_90], %swap3A_93 {strides = array<i32>} : memref<80xi32, #tpu.memory_space<vmem>>, vector<16xi32>,
      %get3A_94 = arith.constant 48 : index
      %get3A_95 = tpu.vector_load %arg5[%get3A_94] {strides = array<i32>} : memref<80xi32, #tpu.memory_space<vmem>>, vector<16xi32>,
      %get3A_96 = vector.shape_cast %get3A_95 : vector<16xi32> to vector<16xi32>
      %shift_right_logical3A_97 = arith.constant 3 : i32
      %shift_right_logical3A_98 = vector.broadcast %shift_right_logical3A_97 : i32 to vector<16xi32>
      %shift_right_logical3A_99 = arith.shrui %get3A_96, %shift_right_logical3A_98 : vector<16xi32>
      %swap3A_100 = arith.constant 48 : index
      %swap3A_101 = tpu.vector_load %arg7[%swap3A_100] {strides = array<i32>} : memref<80xi32, #tpu.memory_space<vmem>>, vector<16xi32>,
      %swap3A_102 = vector.shape_cast %swap3A_101 : vector<16xi32> to vector<16xi32>
      %swap3A_103 = vector.shape_cast %shift_right_logical3A_99 : vector<16xi32> to vector<16xi32>
      tpu.vector_store %arg7[%swap3A_100], %swap3A_103 {strides = array<i32>} : memref<80xi32, #tpu.memory_space<vmem>>, vector<16xi32>,
      %and3A_104 = arith.constant 7 : i32
      %and3A_105 = vector.broadcast %and3A_104 : i32 to vector<16xi32>
      %and3A_106 = arith.andi %get3A_96, %and3A_105 : vector<16xi32>
      %swap3A_107 = arith.constant 48 : index
      %swap3A_108 = tpu.vector_load %arg5[%swap3A_107] {strides = array<i32>} : memref<80xi32, #tpu.memory_space<vmem>>, vector<16xi32>,
      %swap3A_109 = vector.shape_cast %swap3A_108 : vector<16xi32> to vector<16xi32>
      %swap3A_110 = vector.shape_cast %and3A_106 : vector<16xi32> to vector<16xi32>
      tpu.vector_store %arg5[%swap3A_107], %swap3A_110 {strides = array<i32>} : memref<80xi32, #tpu.memory_space<vmem>>, vector<16xi32>,
      %get3A_111 = arith.constant 64 : index
      %get3A_112 = tpu.vector_load %arg5[%get3A_111] {strides = array<i32>} : memref<80xi32, #tpu.memory_space<vmem>>, vector<16xi32>,
      %get3A_113 = vector.shape_cast %get3A_112 : vector<16xi32> to vector<16xi32>
      %shift_right_logical3A_114 = arith.constant 3 : i32
      %shift_right_logical3A_115 = vector.broadcast %shift_right_logical3A_114 : i32 to vector<16xi32>
      %shift_right_logical3A_116 = arith.shrui %get3A_113, %shift_right_logical3A_115 : vector<16xi32>
      %swap3A_117 = arith.constant 64 : index
      %swap3A_118 = tpu.vector_load %arg7[%swap3A_117] {strides = array<i32>} : memref<80xi32, #tpu.memory_space<vmem>>, vector<16xi32>,
      %swap3A_119 = vector.shape_cast %swap3A_118 : vector<16xi32> to vector<16xi32>
      %swap3A_120 = vector.shape_cast %shift_right_logical3A_116 : vector<16xi32> to vector<16xi32>
      tpu.vector_store %arg7[%swap3A_117], %swap3A_120 {strides = array<i32>} : memref<80xi32, #tpu.memory_space<vmem>>, vector<16xi32>,
      %and3A_121 = arith.constant 7 : i32
      %and3A_122 = vector.broadcast %and3A_121 : i32 to vector<16xi32>
      %and3A_123 = arith.andi %get3A_113, %and3A_122 : vector<16xi32>
      %swap3A_124 = arith.constant 64 : index
      %swap3A_125 = tpu.vector_load %arg5[%swap3A_124] {strides = array<i32>} : memref<80xi32, #tpu.memory_space<vmem>>, vector<16xi32>,
      %swap3A_126 = vector.shape_cast %swap3A_125 : vector<16xi32> to vector<16xi32>
      %swap3A_127 = vector.shape_cast %and3A_123 : vector<16xi32> to vector<16xi32>
      tpu.vector_store %arg5[%swap3A_124], %swap3A_127 {strides = array<i32>} : memref<80xi32, #tpu.memory_space<vmem>>, vector<16xi32>,
      %dma_start3A = arith.constant 0 : i32
      %dma_start3A_128 = arith.constant 0 : i32
      %dma_start3A_129 = tpu.memref_slice %arg15[%dma_start3A, %dma_start3A_128] : memref<8x128xf32, #tpu.memory_space<vmem_shared>> -> memref<8x128xf32, #tpu.memory_space<vmem_shared>>
      tpu.enqueue_indirect_dma source(%dma_start3A_129 : memref<8x128xf32, #tpu.memory_space<vmem_shared>>) target(%arg9 : memref<80x128xf32, #tpu.memory_space<vmem>>) offsets(%arg5 : memref<80xi32, #tpu.memory_space<vmem>>) semaphore(%arg11 : memref<!tpu.dma_semaphore, #tpu.memory_space<semaphore_mem>>)
      %dma_wait3A_130 = arith.constant 0 : i32
      %dma_wait3A_131 = arith.constant 0 : i32
      %dma_wait3A_132 = tpu.memref_slice %arg15[%dma_wait3A_130, %dma_wait3A_131] : memref<8x128xf32, #tpu.memory_space<vmem_shared>> -> memref<8x128xf32, #tpu.memory_space<vmem_shared>>
      tpu.wait_indirect_dma semaphore(%arg11 : memref<!tpu.dma_semaphore, #tpu.memory_space<semaphore_mem>>) src(%dma_wait3A_132 : memref<8x128xf32, #tpu.memory_space<vmem_shared>>) dst(%arg9 : memref<80x128xf32, #tpu.memory_space<vmem>>)
      %dma_start3A_133 = arith.constant 0 : i32
      %dma_start3A_134 = arith.constant 0 : i32
      %dma_start3A_135 = tpu.memref_slice %arg14[%dma_start3A_133, %dma_start3A_134] : memref<1280x128xf32, #tpu.memory_space<vmem_shared>> -> memref<1280x128xf32, #tpu.memory_space<vmem_shared>>
      tpu.enqueue_indirect_dma source(%arg9 : memref<80x128xf32, #tpu.memory_space<vmem>>) target(%dma_start3A_135 : memref<1280x128xf32, #tpu.memory_space<vmem_shared>>) offsets(%arg7 : memref<80xi32, #tpu.memory_space<vmem>>) semaphore(%arg12 : memref<!tpu.dma_semaphore, #tpu.memory_space<semaphore_mem>>) {add = true}
      %mul3A_136 = arith.constant 2 : i32
      %mul3A_137 = arith.muli %scan3A_36, %mul3A_136 : i32
      %add3A_138 = arith.constant 1 : i32
      %add3A_139 = arith.addi %mul3A_137, %add3A_138 : i32
      %ge3A_140 = arith.constant 2 : i32
      %ge3A_141 = arith.cmpi sge, %add3A_139, %ge3A_140 : i32
      %convert_element_type3A_142 = arith.extui %ge3A_141 : i1 to i32
      %cond3A_143 = arith.constant 0 : i32
      %cond3A_144 = arith.cmpi ne, %convert_element_type3A_142, %cond3A_143 : i32
      scf.if %cond3A_144 {
        %dma_wait3A_243 = arith.constant 0 : i32
        %dma_wait3A_244 = arith.constant 0 : i32
        %dma_wait3A_245 = tpu.memref_slice %arg4[%dma_wait3A_243, %dma_wait3A_244] : memref<2560x128xf32, #tpu.memory_space<hbm>> -> memref<80x128xf32, #tpu.memory_space<hbm>>
        %dma_wait3A_246 = arith.constant 0 : i32
        %dma_wait3A_247 = arith.constant 0 : i32
        %dma_wait3A_248 = tpu.memref_slice %arg4[%dma_wait3A_246, %dma_wait3A_247] : memref<2560x128xf32, #tpu.memory_space<hbm>> -> memref<80x128xf32, #tpu.memory_space<hbm>>
        tpu.wait_dma2 semaphore(%arg13 : memref<!tpu.dma_semaphore, #tpu.memory_space<semaphore_mem>>) src(%dma_wait3A_248 : memref<80x128xf32, #tpu.memory_space<hbm>>) dst(%arg10 : memref<80x128xf32, #tpu.memory_space<vmem>>)
      } else {
      }
      %mul3A_145 = arith.constant 80 : i32
      %mul3A_146 = arith.muli %add3A_139, %mul3A_145 : i32
      %add3A_147 = arith.addi %mul3A_13, %mul3A_146 : i32
      "tpu.region"() ({
        %run_scoped3A = tpu.sem_alloc : memref<!tpu.dma_semaphore, #tpu.memory_space<semaphore_mem>>
        %dma_start3A_243 = tpu.memref_slice %arg2[%add3A_147] : memref<163840xi32, #tpu.memory_space<hbm>> -> memref<80xi32, #tpu.memory_space<hbm>>
        %dma_start3A_244 = tpu.memref_slice %arg2[%add3A_147] : memref<163840xi32, #tpu.memory_space<hbm>> -> memref<80xi32, #tpu.memory_space<hbm>>
        tpu.enqueue_dma source(%dma_start3A_244 : memref<80xi32, #tpu.memory_space<hbm>>) target(%arg6 : memref<80xi32, #tpu.memory_space<vmem>>) target_semaphore(%run_scoped3A : memref<!tpu.dma_semaphore, #tpu.memory_space<semaphore_mem>>)
        %dma_wait3A_245 = tpu.memref_slice %arg2[%add3A_147] : memref<163840xi32, #tpu.memory_space<hbm>> -> memref<80xi32, #tpu.memory_space<hbm>>
        %dma_wait3A_246 = tpu.memref_slice %arg2[%add3A_147] : memref<163840xi32, #tpu.memory_space<hbm>> -> memref<80xi32, #tpu.memory_space<hbm>>
        tpu.wait_dma2 semaphore(%run_scoped3A : memref<!tpu.dma_semaphore, #tpu.memory_space<semaphore_mem>>) src(%dma_wait3A_246 : memref<80xi32, #tpu.memory_space<hbm>>) dst(%arg6 : memref<80xi32, #tpu.memory_space<vmem>>)
        tpu.yield
      }) : () -> ()
      %get3A_148 = arith.constant 0 : index
      %get3A_149 = tpu.vector_load %arg6[%get3A_148] {strides = array<i32>} : memref<80xi32, #tpu.memory_space<vmem>>, vector<16xi32>,
      %get3A_150 = vector.shape_cast %get3A_149 : vector<16xi32> to vector<16xi32>
      %shift_right_logical3A_151 = arith.constant 3 : i32
      %shift_right_logical3A_152 = vector.broadcast %shift_right_logical3A_151 : i32 to vector<16xi32>
      %shift_right_logical3A_153 = arith.shrui %get3A_150, %shift_right_logical3A_152 : vector<16xi32>
      %swap3A_154 = arith.constant 0 : index
      %swap3A_155 = tpu.vector_load %arg8[%swap3A_154] {strides = array<i32>} : memref<80xi32, #tpu.memory_space<vmem>>, vector<16xi32>,
      %swap3A_156 = vector.shape_cast %swap3A_155 : vector<16xi32> to vector<16xi32>
      %swap3A_157 = vector.shape_cast %shift_right_logical3A_153 : vector<16xi32> to vector<16xi32>
      tpu.vector_store %arg8[%swap3A_154], %swap3A_157 {strides = array<i32>} : memref<80xi32, #tpu.memory_space<vmem>>, vector<16xi32>,
      %and3A_158 = arith.constant 7 : i32
      %and3A_159 = vector.broadcast %and3A_158 : i32 to vector<16xi32>
      %and3A_160 = arith.andi %get3A_150, %and3A_159 : vector<16xi32>
      %swap3A_161 = arith.constant 0 : index
      %swap3A_162 = tpu.vector_load %arg6[%swap3A_161] {strides = array<i32>} : memref<80xi32, #tpu.memory_space<vmem>>, vector<16xi32>,
      %swap3A_163 = vector.shape_cast %swap3A_162 : vector<16xi32> to vector<16xi32>
      %swap3A_164 = vector.shape_cast %and3A_160 : vector<16xi32> to vector<16xi32>
      tpu.vector_store %arg6[%swap3A_161], %swap3A_164 {strides = array<i32>} : memref<80xi32, #tpu.memory_space<vmem>>, vector<16xi32>,
      %get3A_165 = arith.constant 16 : index
      %get3A_166 = tpu.vector_load %arg6[%get3A_165] {strides = array<i32>} : memref<80xi32, #tpu.memory_space<vmem>>, vector<16xi32>,
      %get3A_167 = vector.shape_cast %get3A_166 : vector<16xi32> to vector<16xi32>
      %shift_right_logical3A_168 = arith.constant 3 : i32
      %shift_right_logical3A_169 = vector.broadcast %shift_right_logical3A_168 : i32 to vector<16xi32>
      %shift_right_logical3A_170 = arith.shrui %get3A_167, %shift_right_logical3A_169 : vector<16xi32>
      %swap3A_171 = arith.constant 16 : index
      %swap3A_172 = tpu.vector_load %arg8[%swap3A_171] {strides = array<i32>} : memref<80xi32, #tpu.memory_space<vmem>>, vector<16xi32>,
      %swap3A_173 = vector.shape_cast %swap3A_172 : vector<16xi32> to vector<16xi32>
      %swap3A_174 = vector.shape_cast %shift_right_logical3A_170 : vector<16xi32> to vector<16xi32>
      tpu.vector_store %arg8[%swap3A_171], %swap3A_174 {strides = array<i32>} : memref<80xi32, #tpu.memory_space<vmem>>, vector<16xi32>,
      %and3A_175 = arith.constant 7 : i32
      %and3A_176 = vector.broadcast %and3A_175 : i32 to vector<16xi32>
      %and3A_177 = arith.andi %get3A_167, %and3A_176 : vector<16xi32>
      %swap3A_178 = arith.constant 16 : index
      %swap3A_179 = tpu.vector_load %arg6[%swap3A_178] {strides = array<i32>} : memref<80xi32, #tpu.memory_space<vmem>>, vector<16xi32>,
      %swap3A_180 = vector.shape_cast %swap3A_179 : vector<16xi32> to vector<16xi32>
      %swap3A_181 = vector.shape_cast %and3A_177 : vector<16xi32> to vector<16xi32>
      tpu.vector_store %arg6[%swap3A_178], %swap3A_181 {strides = array<i32>} : memref<80xi32, #tpu.memory_space<vmem>>, vector<16xi32>,
      %get3A_182 = arith.constant 32 : index
      %get3A_183 = tpu.vector_load %arg6[%get3A_182] {strides = array<i32>} : memref<80xi32, #tpu.memory_space<vmem>>, vector<16xi32>,
      %get3A_184 = vector.shape_cast %get3A_183 : vector<16xi32> to vector<16xi32>
      %shift_right_logical3A_185 = arith.constant 3 : i32
      %shift_right_logical3A_186 = vector.broadcast %shift_right_logical3A_185 : i32 to vector<16xi32>
      %shift_right_logical3A_187 = arith.shrui %get3A_184, %shift_right_logical3A_186 : vector<16xi32>
      %swap3A_188 = arith.constant 32 : index
      %swap3A_189 = tpu.vector_load %arg8[%swap3A_188] {strides = array<i32>} : memref<80xi32, #tpu.memory_space<vmem>>, vector<16xi32>,
      %swap3A_190 = vector.shape_cast %swap3A_189 : vector<16xi32> to vector<16xi32>
      %swap3A_191 = vector.shape_cast %shift_right_logical3A_187 : vector<16xi32> to vector<16xi32>
      tpu.vector_store %arg8[%swap3A_188], %swap3A_191 {strides = array<i32>} : memref<80xi32, #tpu.memory_space<vmem>>, vector<16xi32>,
      %and3A_192 = arith.constant 7 : i32
      %and3A_193 = vector.broadcast %and3A_192 : i32 to vector<16xi32>
      %and3A_194 = arith.andi %get3A_184, %and3A_193 : vector<16xi32>
      %swap3A_195 = arith.constant 32 : index
      %swap3A_196 = tpu.vector_load %arg6[%swap3A_195] {strides = array<i32>} : memref<80xi32, #tpu.memory_space<vmem>>, vector<16xi32>,
      %swap3A_197 = vector.shape_cast %swap3A_196 : vector<16xi32> to vector<16xi32>
      %swap3A_198 = vector.shape_cast %and3A_194 : vector<16xi32> to vector<16xi32>
      tpu.vector_store %arg6[%swap3A_195], %swap3A_198 {strides = array<i32>} : memref<80xi32, #tpu.memory_space<vmem>>, vector<16xi32>,
      %get3A_199 = arith.constant 48 : index
      %get3A_200 = tpu.vector_load %arg6[%get3A_199] {strides = array<i32>} : memref<80xi32, #tpu.memory_space<vmem>>, vector<16xi32>,
      %get3A_201 = vector.shape_cast %get3A_200 : vector<16xi32> to vector<16xi32>
      %shift_right_logical3A_202 = arith.constant 3 : i32
      %shift_right_logical3A_203 = vector.broadcast %shift_right_logical3A_202 : i32 to vector<16xi32>
      %shift_right_logical3A_204 = arith.shrui %get3A_201, %shift_right_logical3A_203 : vector<16xi32>
      %swap3A_205 = arith.constant 48 : index
      %swap3A_206 = tpu.vector_load %arg8[%swap3A_205] {strides = array<i32>} : memref<80xi32, #tpu.memory_space<vmem>>, vector<16xi32>,
      %swap3A_207 = vector.shape_cast %swap3A_206 : vector<16xi32> to vector<16xi32>
      %swap3A_208 = vector.shape_cast %shift_right_logical3A_204 : vector<16xi32> to vector<16xi32>
      tpu.vector_store %arg8[%swap3A_205], %swap3A_208 {strides = array<i32>} : memref<80xi32, #tpu.memory_space<vmem>>, vector<16xi32>,
      %and3A_209 = arith.constant 7 : i32
      %and3A_210 = vector.broadcast %and3A_209 : i32 to vector<16xi32>
      %and3A_211 = arith.andi %get3A_201, %and3A_210 : vector<16xi32>
      %swap3A_212 = arith.constant 48 : index
      %swap3A_213 = tpu.vector_load %arg6[%swap3A_212] {strides = array<i32>} : memref<80xi32, #tpu.memory_space<vmem>>, vector<16xi32>,
      %swap3A_214 = vector.shape_cast %swap3A_213 : vector<16xi32> to vector<16xi32>
      %swap3A_215 = vector.shape_cast %and3A_211 : vector<16xi32> to vector<16xi32>
      tpu.vector_store %arg6[%swap3A_212], %swap3A_215 {strides = array<i32>} : memref<80xi32, #tpu.memory_space<vmem>>, vector<16xi32>,
      %get3A_216 = arith.constant 64 : index
      %get3A_217 = tpu.vector_load %arg6[%get3A_216] {strides = array<i32>} : memref<80xi32, #tpu.memory_space<vmem>>, vector<16xi32>,
      %get3A_218 = vector.shape_cast %get3A_217 : vector<16xi32> to vector<16xi32>
      %shift_right_logical3A_219 = arith.constant 3 : i32
      %shift_right_logical3A_220 = vector.broadcast %shift_right_logical3A_219 : i32 to vector<16xi32>
      %shift_right_logical3A_221 = arith.shrui %get3A_218, %shift_right_logical3A_220 : vector<16xi32>
      %swap3A_222 = arith.constant 64 : index
      %swap3A_223 = tpu.vector_load %arg8[%swap3A_222] {strides = array<i32>} : memref<80xi32, #tpu.memory_space<vmem>>, vector<16xi32>,
      %swap3A_224 = vector.shape_cast %swap3A_223 : vector<16xi32> to vector<16xi32>
      %swap3A_225 = vector.shape_cast %shift_right_logical3A_221 : vector<16xi32> to vector<16xi32>
      tpu.vector_store %arg8[%swap3A_222], %swap3A_225 {strides = array<i32>} : memref<80xi32, #tpu.memory_space<vmem>>, vector<16xi32>,
      %and3A_226 = arith.constant 7 : i32
      %and3A_227 = vector.broadcast %and3A_226 : i32 to vector<16xi32>
      %and3A_228 = arith.andi %get3A_218, %and3A_227 : vector<16xi32>
      %swap3A_229 = arith.constant 64 : index
      %swap3A_230 = tpu.vector_load %arg6[%swap3A_229] {strides = array<i32>} : memref<80xi32, #tpu.memory_space<vmem>>, vector<16xi32>,
      %swap3A_231 = vector.shape_cast %swap3A_230 : vector<16xi32> to vector<16xi32>
      %swap3A_232 = vector.shape_cast %and3A_228 : vector<16xi32> to vector<16xi32>
      tpu.vector_store %arg6[%swap3A_229], %swap3A_232 {strides = array<i32>} : memref<80xi32, #tpu.memory_space<vmem>>, vector<16xi32>,
      %dma_start3A_233 = arith.constant 0 : i32
      %dma_start3A_234 = arith.constant 0 : i32
      %dma_start3A_235 = tpu.memref_slice %arg15[%dma_start3A_233, %dma_start3A_234] : memref<8x128xf32, #tpu.memory_space<vmem_shared>> -> memref<8x128xf32, #tpu.memory_space<vmem_shared>>
      tpu.enqueue_indirect_dma source(%dma_start3A_235 : memref<8x128xf32, #tpu.memory_space<vmem_shared>>) target(%arg10 : memref<80x128xf32, #tpu.memory_space<vmem>>) offsets(%arg6 : memref<80xi32, #tpu.memory_space<vmem>>) semaphore(%arg11 : memref<!tpu.dma_semaphore, #tpu.memory_space<semaphore_mem>>)
      %dma_wait3A_236 = arith.constant 0 : i32
      %dma_wait3A_237 = arith.constant 0 : i32
      %dma_wait3A_238 = tpu.memref_slice %arg15[%dma_wait3A_236, %dma_wait3A_237] : memref<8x128xf32, #tpu.memory_space<vmem_shared>> -> memref<8x128xf32, #tpu.memory_space<vmem_shared>>
      tpu.wait_indirect_dma semaphore(%arg11 : memref<!tpu.dma_semaphore, #tpu.memory_space<semaphore_mem>>) src(%dma_wait3A_238 : memref<8x128xf32, #tpu.memory_space<vmem_shared>>) dst(%arg10 : memref<80x128xf32, #tpu.memory_space<vmem>>)
      %dma_start3A_239 = arith.constant 0 : i32
      %dma_start3A_240 = arith.constant 0 : i32
      %dma_start3A_241 = tpu.memref_slice %arg14[%dma_start3A_239, %dma_start3A_240] : memref<1280x128xf32, #tpu.memory_space<vmem_shared>> -> memref<1280x128xf32, #tpu.memory_space<vmem_shared>>
      tpu.enqueue_indirect_dma source(%arg10 : memref<80x128xf32, #tpu.memory_space<vmem>>) target(%dma_start3A_241 : memref<1280x128xf32, #tpu.memory_space<vmem_shared>>) offsets(%arg8 : memref<80xi32, #tpu.memory_space<vmem>>) semaphore(%arg13 : memref<!tpu.dma_semaphore, #tpu.memory_space<semaphore_mem>>) {add = true}
      %scan3A_242 = arith.constant 0 : i32
      scf.yield %scan3A_242 : i32
    }
    %scan3A_20 = arith.constant 32 : i32
    %dma_wait3A = arith.constant 0 : i32
    %dma_wait3A_21 = arith.constant 0 : i32
    %dma_wait3A_22 = tpu.memref_slice %arg4[%dma_wait3A, %dma_wait3A_21] : memref<2560x128xf32, #tpu.memory_space<hbm>> -> memref<80x128xf32, #tpu.memory_space<hbm>>
    %dma_wait3A_23 = arith.constant 0 : i32
    %dma_wait3A_24 = arith.constant 0 : i32
    %dma_wait3A_25 = tpu.memref_slice %arg4[%dma_wait3A_23, %dma_wait3A_24] : memref<2560x128xf32, #tpu.memory_space<hbm>> -> memref<80x128xf32, #tpu.memory_space<hbm>>
    tpu.wait_dma2 semaphore(%arg12 : memref<!tpu.dma_semaphore, #tpu.memory_space<semaphore_mem>>) src(%dma_wait3A_25 : memref<80x128xf32, #tpu.memory_space<hbm>>) dst(%arg9 : memref<80x128xf32, #tpu.memory_space<vmem>>)
    %dma_wait3A_26 = arith.constant 0 : i32
    %dma_wait3A_27 = arith.constant 0 : i32
    %dma_wait3A_28 = tpu.memref_slice %arg4[%dma_wait3A_26, %dma_wait3A_27] : memref<2560x128xf32, #tpu.memory_space<hbm>> -> memref<80x128xf32, #tpu.memory_space<hbm>>
    %dma_wait3A_29 = arith.constant 0 : i32
    %dma_wait3A_30 = arith.constant 0 : i32
    %dma_wait3A_31 = tpu.memref_slice %arg4[%dma_wait3A_29, %dma_wait3A_30] : memref<2560x128xf32, #tpu.memory_space<hbm>> -> memref<80x128xf32, #tpu.memory_space<hbm>>
    tpu.wait_dma2 semaphore(%arg13 : memref<!tpu.dma_semaphore, #tpu.memory_space<semaphore_mem>>) src(%dma_wait3A_31 : memref<80x128xf32, #tpu.memory_space<hbm>>) dst(%arg10 : memref<80x128xf32, #tpu.memory_space<vmem>>)
    %barrier3A_32 = arith.constant 0 : index
    tpu.barrier barrier_id(%barrier3A_32)
    "tpu.region"() ({
      %run_scoped3A = tpu.sem_alloc : memref<!tpu.dma_semaphore, #tpu.memory_space<semaphore_mem>>
      %dma_start3A = arith.constant 0 : i32
      %dma_start3A_36 = arith.constant 0 : i32
      %dma_start3A_37 = tpu.memref_slice %arg9[%dma_start3A, %dma_start3A_36] : memref<80x128xf32, #tpu.memory_space<vmem>> -> memref<80x128xf32, #tpu.memory_space<vmem>>
      %dma_start3A_38 = arith.constant 0 : i32
      %dma_start3A_39 = tpu.memref_slice %arg14[%mul3A_7, %dma_start3A_38] : memref<1280x128xf32, #tpu.memory_space<vmem_shared>> -> memref<80x128xf32, #tpu.memory_space<vmem_shared>>
      %dma_start3A_40 = arith.constant 0 : i32
      %dma_start3A_41 = arith.constant 0 : i32
      %dma_start3A_42 = tpu.memref_slice %arg9[%dma_start3A_40, %dma_start3A_41] : memref<80x128xf32, #tpu.memory_space<vmem>> -> memref<80x128xf32, #tpu.memory_space<vmem>>
      %dma_start3A_43 = arith.constant 0 : i32
      %dma_start3A_44 = tpu.memref_slice %arg14[%mul3A_7, %dma_start3A_43] : memref<1280x128xf32, #tpu.memory_space<vmem_shared>> -> memref<80x128xf32, #tpu.memory_space<vmem_shared>>
      tpu.enqueue_dma source(%dma_start3A_44 : memref<80x128xf32, #tpu.memory_space<vmem_shared>>) target(%dma_start3A_42 : memref<80x128xf32, #tpu.memory_space<vmem>>) target_semaphore(%run_scoped3A : memref<!tpu.dma_semaphore, #tpu.memory_space<semaphore_mem>>)
      %dma_wait3A_45 = arith.constant 0 : i32
      %dma_wait3A_46 = arith.constant 0 : i32
      %dma_wait3A_47 = tpu.memref_slice %arg9[%dma_wait3A_45, %dma_wait3A_46] : memref<80x128xf32, #tpu.memory_space<vmem>> -> memref<80x128xf32, #tpu.memory_space<vmem>>
      %dma_wait3A_48 = arith.constant 0 : i32
      %dma_wait3A_49 = tpu.memref_slice %arg14[%mul3A_7, %dma_wait3A_48] : memref<1280x128xf32, #tpu.memory_space<vmem_shared>> -> memref<80x128xf32, #tpu.memory_space<vmem_shared>>
      %dma_wait3A_50 = arith.constant 0 : i32
      %dma_wait3A_51 = arith.constant 0 : i32
      %dma_wait3A_52 = tpu.memref_slice %arg9[%dma_wait3A_50, %dma_wait3A_51] : memref<80x128xf32, #tpu.memory_space<vmem>> -> memref<80x128xf32, #tpu.memory_space<vmem>>
      %dma_wait3A_53 = arith.constant 0 : i32
      %dma_wait3A_54 = tpu.memref_slice %arg14[%mul3A_7, %dma_wait3A_53] : memref<1280x128xf32, #tpu.memory_space<vmem_shared>> -> memref<80x128xf32, #tpu.memory_space<vmem_shared>>
      tpu.wait_dma2 semaphore(%run_scoped3A : memref<!tpu.dma_semaphore, #tpu.memory_space<semaphore_mem>>) src(%dma_wait3A_54 : memref<80x128xf32, #tpu.memory_space<vmem_shared>>) dst(%dma_wait3A_52 : memref<80x128xf32, #tpu.memory_space<vmem>>)
      tpu.yield
    }) : () -> ()
    %mul3A_33 = arith.constant 1280 : i32
    %mul3A_34 = arith.muli %arg0, %mul3A_33 : i32
    %add3A_35 = arith.addi %mul3A_34, %mul3A_7 : i32
    "tpu.region"() ({
      %run_scoped3A = tpu.sem_alloc : memref<!tpu.dma_semaphore, #tpu.memory_space<semaphore_mem>>
      %dma_start3A = arith.constant 0 : i32
      %dma_start3A_36 = arith.constant 0 : i32
      %dma_start3A_37 = tpu.memref_slice %arg9[%dma_start3A, %dma_start3A_36] : memref<80x128xf32, #tpu.memory_space<vmem>> -> memref<80x128xf32, #tpu.memory_space<vmem>>
      %dma_start3A_38 = arith.constant 0 : i32
      %dma_start3A_39 = tpu.memref_slice %arg4[%add3A_35, %dma_start3A_38] : memref<2560x128xf32, #tpu.memory_space<hbm>> -> memref<80x128xf32, #tpu.memory_space<hbm>>
      %dma_start3A_40 = arith.constant 0 : i32
      %dma_start3A_41 = tpu.memref_slice %arg4[%add3A_35, %dma_start3A_40] : memref<2560x128xf32, #tpu.memory_space<hbm>> -> memref<80x128xf32, #tpu.memory_space<hbm>>
      %dma_start3A_42 = arith.constant 0 : i32
      %dma_start3A_43 = arith.constant 0 : i32
      %dma_start3A_44 = tpu.memref_slice %arg9[%dma_start3A_42, %dma_start3A_43] : memref<80x128xf32, #tpu.memory_space<vmem>> -> memref<80x128xf32, #tpu.memory_space<vmem>>
      tpu.enqueue_dma source(%dma_start3A_44 : memref<80x128xf32, #tpu.memory_space<vmem>>) target(%dma_start3A_41 : memref<80x128xf32, #tpu.memory_space<hbm>>) target_semaphore(%run_scoped3A : memref<!tpu.dma_semaphore, #tpu.memory_space<semaphore_mem>>)
      %dma_wait3A_45 = arith.constant 0 : i32
      %dma_wait3A_46 = arith.constant 0 : i32
      %dma_wait3A_47 = tpu.memref_slice %arg9[%dma_wait3A_45, %dma_wait3A_46] : memref<80x128xf32, #tpu.memory_space<vmem>> -> memref<80x128xf32, #tpu.memory_space<vmem>>
      %dma_wait3A_48 = arith.constant 0 : i32
      %dma_wait3A_49 = tpu.memref_slice %arg4[%add3A_35, %dma_wait3A_48] : memref<2560x128xf32, #tpu.memory_space<hbm>> -> memref<80x128xf32, #tpu.memory_space<hbm>>
      %dma_wait3A_50 = arith.constant 0 : i32
      %dma_wait3A_51 = tpu.memref_slice %arg4[%add3A_35, %dma_wait3A_50] : memref<2560x128xf32, #tpu.memory_space<hbm>> -> memref<80x128xf32, #tpu.memory_space<hbm>>
      %dma_wait3A_52 = arith.constant 0 : i32
      %dma_wait3A_53 = arith.constant 0 : i32
      %dma_wait3A_54 = tpu.memref_slice %arg9[%dma_wait3A_52, %dma_wait3A_53] : memref<80x128xf32, #tpu.memory_space<vmem>> -> memref<80x128xf32, #tpu.memory_space<vmem>>
      tpu.wait_dma2 semaphore(%run_scoped3A : memref<!tpu.dma_semaphore, #tpu.memory_space<semaphore_mem>>) src(%dma_wait3A_54 : memref<80x128xf32, #tpu.memory_space<vmem>>) dst(%dma_wait3A_51 : memref<80x128xf32, #tpu.memory_space<hbm>>)
      tpu.yield
    }) : () -> ()
    return
  }
}

#map = affine_map<(d0, d1) -> (0, 0)>
#map1 = affine_map<(d0, d1) -> (0, 0, 0)>
module attributes {stable_mosaic.version = 14 : i64} {
  func.func @_sc_agg_body(%arg0: i32, %arg1: i32, %arg2: memref<20480x128xf32, #tpu.memory_space<hbm>>, %arg3: memref<2x16x10240xi32, #tpu.memory_space<hbm>>, %arg4: memref<16x128x80xi32, #tpu.memory_space<hbm>>, %arg5: memref<20480x128xf32, #tpu.memory_space<hbm>>, %arg6: memref<10240xi32, #tpu.memory_space<vmem>>, %arg7: memref<128x80xi32, #tpu.memory_space<vmem>>, %arg8: memref<80x128xf32, #tpu.memory_space<vmem>>, %arg9: memref<80x128xf32, #tpu.memory_space<vmem>>, %arg10: memref<!tpu.dma_semaphore, #tpu.memory_space<semaphore_mem>>, %arg11: memref<!tpu.dma_semaphore, #tpu.memory_space<semaphore_mem>>, %arg12: memref<!tpu.dma_semaphore, #tpu.memory_space<semaphore_mem>>, %arg13: memref<!tpu.dma_semaphore, #tpu.memory_space<semaphore_mem>>, %arg14: memref<10240x128xf32, #tpu.memory_space<vmem_shared>>) attributes {dimension_semantics = [#tpu.dimension_semantics<core_parallel>, #tpu.dimension_semantics<subcore_parallel>], iteration_bounds = array<i64: 2, 16>, scalar_prefetch = 0 : i64, scratch_operands = 9 : i64, tpu.core_type = #tpu.core_type<sc_vector_subcore>, window_params = [{transform_indices = #map}, {transform_indices = #map1}, {transform_indices = #map1}, {transform_indices = #map}]} {
    %broadcast_in_dim3A = arith.constant 0.000000e+00 : f32
    %broadcast_in_dim3A_0 = vector.broadcast %broadcast_in_dim3A : f32 to vector<16xf32>
    %scan3A = arith.constant 0 : i32
    %scan3A_1 = arith.constant 0 : i32
    %scan3A_2 = arith.constant 80 : i32
    %scan3A_3 = arith.addi %scan3A_1, %scan3A_2 : i32
    %scan3A_4 = arith.constant 1 : i32
    %scan3A_5 = scf.for %scan3A_49 = %scan3A_1 to %scan3A_3 step %scan3A_4 iter_args(%scan3A_50 = %scan3A) -> (i32)  : i32 {
      %swap3A = arith.index_cast %scan3A_49 : i32 to index
      %swap3A_51 = arith.constant 0 : index
      %swap3A_52 = tpu.vector_load %arg8[%swap3A, %swap3A_51] {strides = array<i32>} : memref<80x128xf32, #tpu.memory_space<vmem>>, vector<1x16xf32>,
      %swap3A_53 = vector.shape_cast %swap3A_52 : vector<1x16xf32> to vector<16xf32>
      %swap3A_54 = vector.shape_cast %broadcast_in_dim3A_0 : vector<16xf32> to vector<1x16xf32>
      tpu.vector_store %arg8[%swap3A, %swap3A_51], %swap3A_54 {strides = array<i32>} : memref<80x128xf32, #tpu.memory_space<vmem>>, vector<1x16xf32>,
      %swap3A_55 = arith.index_cast %scan3A_49 : i32 to index
      %swap3A_56 = arith.constant 16 : index
      %swap3A_57 = tpu.vector_load %arg8[%swap3A_55, %swap3A_56] {strides = array<i32>} : memref<80x128xf32, #tpu.memory_space<vmem>>, vector<1x16xf32>,
      %swap3A_58 = vector.shape_cast %swap3A_57 : vector<1x16xf32> to vector<16xf32>
      %swap3A_59 = vector.shape_cast %broadcast_in_dim3A_0 : vector<16xf32> to vector<1x16xf32>
      tpu.vector_store %arg8[%swap3A_55, %swap3A_56], %swap3A_59 {strides = array<i32>} : memref<80x128xf32, #tpu.memory_space<vmem>>, vector<1x16xf32>,
      %swap3A_60 = arith.index_cast %scan3A_49 : i32 to index
      %swap3A_61 = arith.constant 32 : index
      %swap3A_62 = tpu.vector_load %arg8[%swap3A_60, %swap3A_61] {strides = array<i32>} : memref<80x128xf32, #tpu.memory_space<vmem>>, vector<1x16xf32>,
      %swap3A_63 = vector.shape_cast %swap3A_62 : vector<1x16xf32> to vector<16xf32>
      %swap3A_64 = vector.shape_cast %broadcast_in_dim3A_0 : vector<16xf32> to vector<1x16xf32>
      tpu.vector_store %arg8[%swap3A_60, %swap3A_61], %swap3A_64 {strides = array<i32>} : memref<80x128xf32, #tpu.memory_space<vmem>>, vector<1x16xf32>,
      %swap3A_65 = arith.index_cast %scan3A_49 : i32 to index
      %swap3A_66 = arith.constant 48 : index
      %swap3A_67 = tpu.vector_load %arg8[%swap3A_65, %swap3A_66] {strides = array<i32>} : memref<80x128xf32, #tpu.memory_space<vmem>>, vector<1x16xf32>,
      %swap3A_68 = vector.shape_cast %swap3A_67 : vector<1x16xf32> to vector<16xf32>
      %swap3A_69 = vector.shape_cast %broadcast_in_dim3A_0 : vector<16xf32> to vector<1x16xf32>
      tpu.vector_store %arg8[%swap3A_65, %swap3A_66], %swap3A_69 {strides = array<i32>} : memref<80x128xf32, #tpu.memory_space<vmem>>, vector<1x16xf32>,
      %swap3A_70 = arith.index_cast %scan3A_49 : i32 to index
      %swap3A_71 = arith.constant 64 : index
      %swap3A_72 = tpu.vector_load %arg8[%swap3A_70, %swap3A_71] {strides = array<i32>} : memref<80x128xf32, #tpu.memory_space<vmem>>, vector<1x16xf32>,
      %swap3A_73 = vector.shape_cast %swap3A_72 : vector<1x16xf32> to vector<16xf32>
      %swap3A_74 = vector.shape_cast %broadcast_in_dim3A_0 : vector<16xf32> to vector<1x16xf32>
      tpu.vector_store %arg8[%swap3A_70, %swap3A_71], %swap3A_74 {strides = array<i32>} : memref<80x128xf32, #tpu.memory_space<vmem>>, vector<1x16xf32>,
      %swap3A_75 = arith.index_cast %scan3A_49 : i32 to index
      %swap3A_76 = arith.constant 80 : index
      %swap3A_77 = tpu.vector_load %arg8[%swap3A_75, %swap3A_76] {strides = array<i32>} : memref<80x128xf32, #tpu.memory_space<vmem>>, vector<1x16xf32>,
      %swap3A_78 = vector.shape_cast %swap3A_77 : vector<1x16xf32> to vector<16xf32>
      %swap3A_79 = vector.shape_cast %broadcast_in_dim3A_0 : vector<16xf32> to vector<1x16xf32>
      tpu.vector_store %arg8[%swap3A_75, %swap3A_76], %swap3A_79 {strides = array<i32>} : memref<80x128xf32, #tpu.memory_space<vmem>>, vector<1x16xf32>,
      %swap3A_80 = arith.index_cast %scan3A_49 : i32 to index
      %swap3A_81 = arith.constant 96 : index
      %swap3A_82 = tpu.vector_load %arg8[%swap3A_80, %swap3A_81] {strides = array<i32>} : memref<80x128xf32, #tpu.memory_space<vmem>>, vector<1x16xf32>,
      %swap3A_83 = vector.shape_cast %swap3A_82 : vector<1x16xf32> to vector<16xf32>
      %swap3A_84 = vector.shape_cast %broadcast_in_dim3A_0 : vector<16xf32> to vector<1x16xf32>
      tpu.vector_store %arg8[%swap3A_80, %swap3A_81], %swap3A_84 {strides = array<i32>} : memref<80x128xf32, #tpu.memory_space<vmem>>, vector<1x16xf32>,
      %swap3A_85 = arith.index_cast %scan3A_49 : i32 to index
      %swap3A_86 = arith.constant 112 : index
      %swap3A_87 = tpu.vector_load %arg8[%swap3A_85, %swap3A_86] {strides = array<i32>} : memref<80x128xf32, #tpu.memory_space<vmem>>, vector<1x16xf32>,
      %swap3A_88 = vector.shape_cast %swap3A_87 : vector<1x16xf32> to vector<16xf32>
      %swap3A_89 = vector.shape_cast %broadcast_in_dim3A_0 : vector<16xf32> to vector<1x16xf32>
      tpu.vector_store %arg8[%swap3A_85, %swap3A_86], %swap3A_89 {strides = array<i32>} : memref<80x128xf32, #tpu.memory_space<vmem>>, vector<1x16xf32>,
      %scan3A_90 = arith.constant 0 : i32
      scf.yield %scan3A_90 : i32
    }
    %scan3A_6 = arith.constant 80 : i32
    "tpu.region"() ({
      %run_scoped3A = tpu.sem_alloc : memref<!tpu.dma_semaphore, #tpu.memory_space<semaphore_mem>>
      %dma_start3A_49 = arith.constant 0 : i32
      %dma_start3A_50 = tpu.memref_slice %arg3[%arg0, %arg1, %dma_start3A_49] : memref<2x16x10240xi32, #tpu.memory_space<hbm>> -> memref<1x1x10240xi32, #tpu.memory_space<hbm>>
      %dma_start3A_51 = tpu.memref_squeeze %dma_start3A_50 : memref<1x1x10240xi32, #tpu.memory_space<hbm>> -> memref<10240xi32, #tpu.memory_space<hbm>>
      %dma_start3A_52 = arith.constant 0 : i32
      %dma_start3A_53 = tpu.memref_slice %arg3[%arg0, %arg1, %dma_start3A_52] : memref<2x16x10240xi32, #tpu.memory_space<hbm>> -> memref<1x1x10240xi32, #tpu.memory_space<hbm>>
      %dma_start3A_54 = tpu.memref_squeeze %dma_start3A_53 : memref<1x1x10240xi32, #tpu.memory_space<hbm>> -> memref<10240xi32, #tpu.memory_space<hbm>>
      tpu.enqueue_dma source(%dma_start3A_54 : memref<10240xi32, #tpu.memory_space<hbm>>) target(%arg6 : memref<10240xi32, #tpu.memory_space<vmem>>) target_semaphore(%run_scoped3A : memref<!tpu.dma_semaphore, #tpu.memory_space<semaphore_mem>>)
      %dma_wait3A_55 = arith.constant 0 : i32
      %dma_wait3A_56 = tpu.memref_slice %arg3[%arg0, %arg1, %dma_wait3A_55] : memref<2x16x10240xi32, #tpu.memory_space<hbm>> -> memref<1x1x10240xi32, #tpu.memory_space<hbm>>
      %dma_wait3A_57 = tpu.memref_squeeze %dma_wait3A_56 : memref<1x1x10240xi32, #tpu.memory_space<hbm>> -> memref<10240xi32, #tpu.memory_space<hbm>>
      %dma_wait3A_58 = arith.constant 0 : i32
      %dma_wait3A_59 = tpu.memref_slice %arg3[%arg0, %arg1, %dma_wait3A_58] : memref<2x16x10240xi32, #tpu.memory_space<hbm>> -> memref<1x1x10240xi32, #tpu.memory_space<hbm>>
      %dma_wait3A_60 = tpu.memref_squeeze %dma_wait3A_59 : memref<1x1x10240xi32, #tpu.memory_space<hbm>> -> memref<10240xi32, #tpu.memory_space<hbm>>
      tpu.wait_dma2 semaphore(%run_scoped3A : memref<!tpu.dma_semaphore, #tpu.memory_space<semaphore_mem>>) src(%dma_wait3A_60 : memref<10240xi32, #tpu.memory_space<hbm>>) dst(%arg6 : memref<10240xi32, #tpu.memory_space<vmem>>)
      tpu.yield
    }) : () -> ()
    "tpu.region"() ({
      %run_scoped3A = tpu.sem_alloc : memref<!tpu.dma_semaphore, #tpu.memory_space<semaphore_mem>>
      %dma_start3A_49 = arith.constant 0 : i32
      %dma_start3A_50 = arith.constant 0 : i32
      %dma_start3A_51 = tpu.memref_slice %arg4[%arg1, %dma_start3A_49, %dma_start3A_50] : memref<16x128x80xi32, #tpu.memory_space<hbm>> -> memref<1x128x80xi32, #tpu.memory_space<hbm>>
      %dma_start3A_52 = tpu.memref_squeeze %dma_start3A_51 : memref<1x128x80xi32, #tpu.memory_space<hbm>> -> memref<128x80xi32, #tpu.memory_space<hbm>>
      %dma_start3A_53 = arith.constant 0 : i32
      %dma_start3A_54 = arith.constant 0 : i32
      %dma_start3A_55 = tpu.memref_slice %arg4[%arg1, %dma_start3A_53, %dma_start3A_54] : memref<16x128x80xi32, #tpu.memory_space<hbm>> -> memref<1x128x80xi32, #tpu.memory_space<hbm>>
      %dma_start3A_56 = tpu.memref_squeeze %dma_start3A_55 : memref<1x128x80xi32, #tpu.memory_space<hbm>> -> memref<128x80xi32, #tpu.memory_space<hbm>>
      tpu.enqueue_dma source(%dma_start3A_56 : memref<128x80xi32, #tpu.memory_space<hbm>>) target(%arg7 : memref<128x80xi32, #tpu.memory_space<vmem>>) target_semaphore(%run_scoped3A : memref<!tpu.dma_semaphore, #tpu.memory_space<semaphore_mem>>)
      %dma_wait3A_57 = arith.constant 0 : i32
      %dma_wait3A_58 = arith.constant 0 : i32
      %dma_wait3A_59 = tpu.memref_slice %arg4[%arg1, %dma_wait3A_57, %dma_wait3A_58] : memref<16x128x80xi32, #tpu.memory_space<hbm>> -> memref<1x128x80xi32, #tpu.memory_space<hbm>>
      %dma_wait3A_60 = tpu.memref_squeeze %dma_wait3A_59 : memref<1x128x80xi32, #tpu.memory_space<hbm>> -> memref<128x80xi32, #tpu.memory_space<hbm>>
      %dma_wait3A_61 = arith.constant 0 : i32
      %dma_wait3A_62 = arith.constant 0 : i32
      %dma_wait3A_63 = tpu.memref_slice %arg4[%arg1, %dma_wait3A_61, %dma_wait3A_62] : memref<16x128x80xi32, #tpu.memory_space<hbm>> -> memref<1x128x80xi32, #tpu.memory_space<hbm>>
      %dma_wait3A_64 = tpu.memref_squeeze %dma_wait3A_63 : memref<1x128x80xi32, #tpu.memory_space<hbm>> -> memref<128x80xi32, #tpu.memory_space<hbm>>
      tpu.wait_dma2 semaphore(%run_scoped3A : memref<!tpu.dma_semaphore, #tpu.memory_space<semaphore_mem>>) src(%dma_wait3A_64 : memref<128x80xi32, #tpu.memory_space<hbm>>) dst(%arg7 : memref<128x80xi32, #tpu.memory_space<vmem>>)
      tpu.yield
    }) : () -> ()
    %mul3A = arith.constant 640 : i32
    %mul3A_7 = arith.muli %arg1, %mul3A : i32
    %add3A = arith.constant 0 : i32
    %add3A_8 = arith.addi %mul3A_7, %add3A : i32
    "tpu.region"() ({
      %run_scoped3A = tpu.sem_alloc : memref<!tpu.dma_semaphore, #tpu.memory_space<semaphore_mem>>
      %dma_start3A_49 = arith.constant 0 : i32
      %dma_start3A_50 = tpu.memref_slice %arg14[%add3A_8, %dma_start3A_49] : memref<10240x128xf32, #tpu.memory_space<vmem_shared>> -> memref<80x128xf32, #tpu.memory_space<vmem_shared>>
      %dma_start3A_51 = arith.constant 0 : i32
      %dma_start3A_52 = tpu.memref_slice %arg14[%add3A_8, %dma_start3A_51] : memref<10240x128xf32, #tpu.memory_space<vmem_shared>> -> memref<80x128xf32, #tpu.memory_space<vmem_shared>>
      tpu.enqueue_dma source(%arg8 : memref<80x128xf32, #tpu.memory_space<vmem>>) target(%dma_start3A_52 : memref<80x128xf32, #tpu.memory_space<vmem_shared>>) target_semaphore(%run_scoped3A : memref<!tpu.dma_semaphore, #tpu.memory_space<semaphore_mem>>)
      %dma_wait3A_53 = arith.constant 0 : i32
      %dma_wait3A_54 = tpu.memref_slice %arg14[%add3A_8, %dma_wait3A_53] : memref<10240x128xf32, #tpu.memory_space<vmem_shared>> -> memref<80x128xf32, #tpu.memory_space<vmem_shared>>
      %dma_wait3A_55 = arith.constant 0 : i32
      %dma_wait3A_56 = tpu.memref_slice %arg14[%add3A_8, %dma_wait3A_55] : memref<10240x128xf32, #tpu.memory_space<vmem_shared>> -> memref<80x128xf32, #tpu.memory_space<vmem_shared>>
      tpu.wait_dma2 semaphore(%run_scoped3A : memref<!tpu.dma_semaphore, #tpu.memory_space<semaphore_mem>>) src(%arg8 : memref<80x128xf32, #tpu.memory_space<vmem>>) dst(%dma_wait3A_56 : memref<80x128xf32, #tpu.memory_space<vmem_shared>>)
      tpu.yield
    }) : () -> ()
    %add3A_9 = arith.constant 80 : i32
    %add3A_10 = arith.addi %mul3A_7, %add3A_9 : i32
    "tpu.region"() ({
      %run_scoped3A = tpu.sem_alloc : memref<!tpu.dma_semaphore, #tpu.memory_space<semaphore_mem>>
      %dma_start3A_49 = arith.constant 0 : i32
      %dma_start3A_50 = tpu.memref_slice %arg14[%add3A_10, %dma_start3A_49] : memref<10240x128xf32, #tpu.memory_space<vmem_shared>> -> memref<80x128xf32, #tpu.memory_space<vmem_shared>>
      %dma_start3A_51 = arith.constant 0 : i32
      %dma_start3A_52 = tpu.memref_slice %arg14[%add3A_10, %dma_start3A_51] : memref<10240x128xf32, #tpu.memory_space<vmem_shared>> -> memref<80x128xf32, #tpu.memory_space<vmem_shared>>
      tpu.enqueue_dma source(%arg8 : memref<80x128xf32, #tpu.memory_space<vmem>>) target(%dma_start3A_52 : memref<80x128xf32, #tpu.memory_space<vmem_shared>>) target_semaphore(%run_scoped3A : memref<!tpu.dma_semaphore, #tpu.memory_space<semaphore_mem>>)
      %dma_wait3A_53 = arith.constant 0 : i32
      %dma_wait3A_54 = tpu.memref_slice %arg14[%add3A_10, %dma_wait3A_53] : memref<10240x128xf32, #tpu.memory_space<vmem_shared>> -> memref<80x128xf32, #tpu.memory_space<vmem_shared>>
      %dma_wait3A_55 = arith.constant 0 : i32
      %dma_wait3A_56 = tpu.memref_slice %arg14[%add3A_10, %dma_wait3A_55] : memref<10240x128xf32, #tpu.memory_space<vmem_shared>> -> memref<80x128xf32, #tpu.memory_space<vmem_shared>>
      tpu.wait_dma2 semaphore(%run_scoped3A : memref<!tpu.dma_semaphore, #tpu.memory_space<semaphore_mem>>) src(%arg8 : memref<80x128xf32, #tpu.memory_space<vmem>>) dst(%dma_wait3A_56 : memref<80x128xf32, #tpu.memory_space<vmem_shared>>)
      tpu.yield
    }) : () -> ()
    %add3A_11 = arith.constant 160 : i32
    %add3A_12 = arith.addi %mul3A_7, %add3A_11 : i32
    "tpu.region"() ({
      %run_scoped3A = tpu.sem_alloc : memref<!tpu.dma_semaphore, #tpu.memory_space<semaphore_mem>>
      %dma_start3A_49 = arith.constant 0 : i32
      %dma_start3A_50 = tpu.memref_slice %arg14[%add3A_12, %dma_start3A_49] : memref<10240x128xf32, #tpu.memory_space<vmem_shared>> -> memref<80x128xf32, #tpu.memory_space<vmem_shared>>
      %dma_start3A_51 = arith.constant 0 : i32
      %dma_start3A_52 = tpu.memref_slice %arg14[%add3A_12, %dma_start3A_51] : memref<10240x128xf32, #tpu.memory_space<vmem_shared>> -> memref<80x128xf32, #tpu.memory_space<vmem_shared>>
      tpu.enqueue_dma source(%arg8 : memref<80x128xf32, #tpu.memory_space<vmem>>) target(%dma_start3A_52 : memref<80x128xf32, #tpu.memory_space<vmem_shared>>) target_semaphore(%run_scoped3A : memref<!tpu.dma_semaphore, #tpu.memory_space<semaphore_mem>>)
      %dma_wait3A_53 = arith.constant 0 : i32
      %dma_wait3A_54 = tpu.memref_slice %arg14[%add3A_12, %dma_wait3A_53] : memref<10240x128xf32, #tpu.memory_space<vmem_shared>> -> memref<80x128xf32, #tpu.memory_space<vmem_shared>>
      %dma_wait3A_55 = arith.constant 0 : i32
      %dma_wait3A_56 = tpu.memref_slice %arg14[%add3A_12, %dma_wait3A_55] : memref<10240x128xf32, #tpu.memory_space<vmem_shared>> -> memref<80x128xf32, #tpu.memory_space<vmem_shared>>
      tpu.wait_dma2 semaphore(%run_scoped3A : memref<!tpu.dma_semaphore, #tpu.memory_space<semaphore_mem>>) src(%arg8 : memref<80x128xf32, #tpu.memory_space<vmem>>) dst(%dma_wait3A_56 : memref<80x128xf32, #tpu.memory_space<vmem_shared>>)
      tpu.yield
    }) : () -> ()
    %add3A_13 = arith.constant 240 : i32
    %add3A_14 = arith.addi %mul3A_7, %add3A_13 : i32
    "tpu.region"() ({
      %run_scoped3A = tpu.sem_alloc : memref<!tpu.dma_semaphore, #tpu.memory_space<semaphore_mem>>
      %dma_start3A_49 = arith.constant 0 : i32
      %dma_start3A_50 = tpu.memref_slice %arg14[%add3A_14, %dma_start3A_49] : memref<10240x128xf32, #tpu.memory_space<vmem_shared>> -> memref<80x128xf32, #tpu.memory_space<vmem_shared>>
      %dma_start3A_51 = arith.constant 0 : i32
      %dma_start3A_52 = tpu.memref_slice %arg14[%add3A_14, %dma_start3A_51] : memref<10240x128xf32, #tpu.memory_space<vmem_shared>> -> memref<80x128xf32, #tpu.memory_space<vmem_shared>>
      tpu.enqueue_dma source(%arg8 : memref<80x128xf32, #tpu.memory_space<vmem>>) target(%dma_start3A_52 : memref<80x128xf32, #tpu.memory_space<vmem_shared>>) target_semaphore(%run_scoped3A : memref<!tpu.dma_semaphore, #tpu.memory_space<semaphore_mem>>)
      %dma_wait3A_53 = arith.constant 0 : i32
      %dma_wait3A_54 = tpu.memref_slice %arg14[%add3A_14, %dma_wait3A_53] : memref<10240x128xf32, #tpu.memory_space<vmem_shared>> -> memref<80x128xf32, #tpu.memory_space<vmem_shared>>
      %dma_wait3A_55 = arith.constant 0 : i32
      %dma_wait3A_56 = tpu.memref_slice %arg14[%add3A_14, %dma_wait3A_55] : memref<10240x128xf32, #tpu.memory_space<vmem_shared>> -> memref<80x128xf32, #tpu.memory_space<vmem_shared>>
      tpu.wait_dma2 semaphore(%run_scoped3A : memref<!tpu.dma_semaphore, #tpu.memory_space<semaphore_mem>>) src(%arg8 : memref<80x128xf32, #tpu.memory_space<vmem>>) dst(%dma_wait3A_56 : memref<80x128xf32, #tpu.memory_space<vmem_shared>>)
      tpu.yield
    }) : () -> ()
    %add3A_15 = arith.constant 320 : i32
    %add3A_16 = arith.addi %mul3A_7, %add3A_15 : i32
    "tpu.region"() ({
      %run_scoped3A = tpu.sem_alloc : memref<!tpu.dma_semaphore, #tpu.memory_space<semaphore_mem>>
      %dma_start3A_49 = arith.constant 0 : i32
      %dma_start3A_50 = tpu.memref_slice %arg14[%add3A_16, %dma_start3A_49] : memref<10240x128xf32, #tpu.memory_space<vmem_shared>> -> memref<80x128xf32, #tpu.memory_space<vmem_shared>>
      %dma_start3A_51 = arith.constant 0 : i32
      %dma_start3A_52 = tpu.memref_slice %arg14[%add3A_16, %dma_start3A_51] : memref<10240x128xf32, #tpu.memory_space<vmem_shared>> -> memref<80x128xf32, #tpu.memory_space<vmem_shared>>
      tpu.enqueue_dma source(%arg8 : memref<80x128xf32, #tpu.memory_space<vmem>>) target(%dma_start3A_52 : memref<80x128xf32, #tpu.memory_space<vmem_shared>>) target_semaphore(%run_scoped3A : memref<!tpu.dma_semaphore, #tpu.memory_space<semaphore_mem>>)
      %dma_wait3A_53 = arith.constant 0 : i32
      %dma_wait3A_54 = tpu.memref_slice %arg14[%add3A_16, %dma_wait3A_53] : memref<10240x128xf32, #tpu.memory_space<vmem_shared>> -> memref<80x128xf32, #tpu.memory_space<vmem_shared>>
      %dma_wait3A_55 = arith.constant 0 : i32
      %dma_wait3A_56 = tpu.memref_slice %arg14[%add3A_16, %dma_wait3A_55] : memref<10240x128xf32, #tpu.memory_space<vmem_shared>> -> memref<80x128xf32, #tpu.memory_space<vmem_shared>>
      tpu.wait_dma2 semaphore(%run_scoped3A : memref<!tpu.dma_semaphore, #tpu.memory_space<semaphore_mem>>) src(%arg8 : memref<80x128xf32, #tpu.memory_space<vmem>>) dst(%dma_wait3A_56 : memref<80x128xf32, #tpu.memory_space<vmem_shared>>)
      tpu.yield
    }) : () -> ()
    %add3A_17 = arith.constant 400 : i32
    %add3A_18 = arith.addi %mul3A_7, %add3A_17 : i32
    "tpu.region"() ({
      %run_scoped3A = tpu.sem_alloc : memref<!tpu.dma_semaphore, #tpu.memory_space<semaphore_mem>>
      %dma_start3A_49 = arith.constant 0 : i32
      %dma_start3A_50 = tpu.memref_slice %arg14[%add3A_18, %dma_start3A_49] : memref<10240x128xf32, #tpu.memory_space<vmem_shared>> -> memref<80x128xf32, #tpu.memory_space<vmem_shared>>
      %dma_start3A_51 = arith.constant 0 : i32
      %dma_start3A_52 = tpu.memref_slice %arg14[%add3A_18, %dma_start3A_51] : memref<10240x128xf32, #tpu.memory_space<vmem_shared>> -> memref<80x128xf32, #tpu.memory_space<vmem_shared>>
      tpu.enqueue_dma source(%arg8 : memref<80x128xf32, #tpu.memory_space<vmem>>) target(%dma_start3A_52 : memref<80x128xf32, #tpu.memory_space<vmem_shared>>) target_semaphore(%run_scoped3A : memref<!tpu.dma_semaphore, #tpu.memory_space<semaphore_mem>>)
      %dma_wait3A_53 = arith.constant 0 : i32
      %dma_wait3A_54 = tpu.memref_slice %arg14[%add3A_18, %dma_wait3A_53] : memref<10240x128xf32, #tpu.memory_space<vmem_shared>> -> memref<80x128xf32, #tpu.memory_space<vmem_shared>>
      %dma_wait3A_55 = arith.constant 0 : i32
      %dma_wait3A_56 = tpu.memref_slice %arg14[%add3A_18, %dma_wait3A_55] : memref<10240x128xf32, #tpu.memory_space<vmem_shared>> -> memref<80x128xf32, #tpu.memory_space<vmem_shared>>
      tpu.wait_dma2 semaphore(%run_scoped3A : memref<!tpu.dma_semaphore, #tpu.memory_space<semaphore_mem>>) src(%arg8 : memref<80x128xf32, #tpu.memory_space<vmem>>) dst(%dma_wait3A_56 : memref<80x128xf32, #tpu.memory_space<vmem_shared>>)
      tpu.yield
    }) : () -> ()
    %add3A_19 = arith.constant 480 : i32
    %add3A_20 = arith.addi %mul3A_7, %add3A_19 : i32
    "tpu.region"() ({
      %run_scoped3A = tpu.sem_alloc : memref<!tpu.dma_semaphore, #tpu.memory_space<semaphore_mem>>
      %dma_start3A_49 = arith.constant 0 : i32
      %dma_start3A_50 = tpu.memref_slice %arg14[%add3A_20, %dma_start3A_49] : memref<10240x128xf32, #tpu.memory_space<vmem_shared>> -> memref<80x128xf32, #tpu.memory_space<vmem_shared>>
      %dma_start3A_51 = arith.constant 0 : i32
      %dma_start3A_52 = tpu.memref_slice %arg14[%add3A_20, %dma_start3A_51] : memref<10240x128xf32, #tpu.memory_space<vmem_shared>> -> memref<80x128xf32, #tpu.memory_space<vmem_shared>>
      tpu.enqueue_dma source(%arg8 : memref<80x128xf32, #tpu.memory_space<vmem>>) target(%dma_start3A_52 : memref<80x128xf32, #tpu.memory_space<vmem_shared>>) target_semaphore(%run_scoped3A : memref<!tpu.dma_semaphore, #tpu.memory_space<semaphore_mem>>)
      %dma_wait3A_53 = arith.constant 0 : i32
      %dma_wait3A_54 = tpu.memref_slice %arg14[%add3A_20, %dma_wait3A_53] : memref<10240x128xf32, #tpu.memory_space<vmem_shared>> -> memref<80x128xf32, #tpu.memory_space<vmem_shared>>
      %dma_wait3A_55 = arith.constant 0 : i32
      %dma_wait3A_56 = tpu.memref_slice %arg14[%add3A_20, %dma_wait3A_55] : memref<10240x128xf32, #tpu.memory_space<vmem_shared>> -> memref<80x128xf32, #tpu.memory_space<vmem_shared>>
      tpu.wait_dma2 semaphore(%run_scoped3A : memref<!tpu.dma_semaphore, #tpu.memory_space<semaphore_mem>>) src(%arg8 : memref<80x128xf32, #tpu.memory_space<vmem>>) dst(%dma_wait3A_56 : memref<80x128xf32, #tpu.memory_space<vmem_shared>>)
      tpu.yield
    }) : () -> ()
    %add3A_21 = arith.constant 560 : i32
    %add3A_22 = arith.addi %mul3A_7, %add3A_21 : i32
    "tpu.region"() ({
      %run_scoped3A = tpu.sem_alloc : memref<!tpu.dma_semaphore, #tpu.memory_space<semaphore_mem>>
      %dma_start3A_49 = arith.constant 0 : i32
      %dma_start3A_50 = tpu.memref_slice %arg14[%add3A_22, %dma_start3A_49] : memref<10240x128xf32, #tpu.memory_space<vmem_shared>> -> memref<80x128xf32, #tpu.memory_space<vmem_shared>>
      %dma_start3A_51 = arith.constant 0 : i32
      %dma_start3A_52 = tpu.memref_slice %arg14[%add3A_22, %dma_start3A_51] : memref<10240x128xf32, #tpu.memory_space<vmem_shared>> -> memref<80x128xf32, #tpu.memory_space<vmem_shared>>
      tpu.enqueue_dma source(%arg8 : memref<80x128xf32, #tpu.memory_space<vmem>>) target(%dma_start3A_52 : memref<80x128xf32, #tpu.memory_space<vmem_shared>>) target_semaphore(%run_scoped3A : memref<!tpu.dma_semaphore, #tpu.memory_space<semaphore_mem>>)
      %dma_wait3A_53 = arith.constant 0 : i32
      %dma_wait3A_54 = tpu.memref_slice %arg14[%add3A_22, %dma_wait3A_53] : memref<10240x128xf32, #tpu.memory_space<vmem_shared>> -> memref<80x128xf32, #tpu.memory_space<vmem_shared>>
      %dma_wait3A_55 = arith.constant 0 : i32
      %dma_wait3A_56 = tpu.memref_slice %arg14[%add3A_22, %dma_wait3A_55] : memref<10240x128xf32, #tpu.memory_space<vmem_shared>> -> memref<80x128xf32, #tpu.memory_space<vmem_shared>>
      tpu.wait_dma2 semaphore(%run_scoped3A : memref<!tpu.dma_semaphore, #tpu.memory_space<semaphore_mem>>) src(%arg8 : memref<80x128xf32, #tpu.memory_space<vmem>>) dst(%dma_wait3A_56 : memref<80x128xf32, #tpu.memory_space<vmem_shared>>)
      tpu.yield
    }) : () -> ()
    %barrier3A = arith.constant 0 : index
    tpu.barrier barrier_id(%barrier3A)
    %dma_start3A = arith.constant 0 : i32
    %dma_start3A_23 = tpu.memref_slice %arg6[%dma_start3A] : memref<10240xi32, #tpu.memory_space<vmem>> -> memref<80xi32, #tpu.memory_space<vmem>>
    %dma_start3A_24 = arith.constant 0 : i32
    %dma_start3A_25 = arith.constant 0 : i32
    %dma_start3A_26 = tpu.memref_slice %arg2[%dma_start3A_24, %dma_start3A_25] : memref<20480x128xf32, #tpu.memory_space<hbm>> -> memref<20480x128xf32, #tpu.memory_space<hbm>>
    tpu.enqueue_indirect_dma source(%dma_start3A_26 : memref<20480x128xf32, #tpu.memory_space<hbm>>) target(%arg8 : memref<80x128xf32, #tpu.memory_space<vmem>>) offsets(%dma_start3A_23 : memref<80xi32, #tpu.memory_space<vmem>>) semaphore(%arg10 : memref<!tpu.dma_semaphore, #tpu.memory_space<semaphore_mem>>)
    %scan3A_27 = arith.constant 0 : i32
    %scan3A_28 = arith.constant 0 : i32
    %scan3A_29 = arith.constant 64 : i32
    %scan3A_30 = arith.addi %scan3A_28, %scan3A_29 : i32
    %scan3A_31 = arith.constant 1 : i32
    %scan3A_32 = scf.for %scan3A_49 = %scan3A_28 to %scan3A_30 step %scan3A_31 iter_args(%scan3A_50 = %scan3A_27) -> (i32)  : i32 {
      %mul3A_51 = arith.constant 2 : i32
      %mul3A_52 = arith.muli %scan3A_49, %mul3A_51 : i32
      %add3A_53 = arith.constant 0 : i32
      %add3A_54 = arith.addi %mul3A_52, %add3A_53 : i32
      %add3A_55 = arith.constant 1 : i32
      %add3A_56 = arith.addi %add3A_54, %add3A_55 : i32
      %lt3A = arith.constant 128 : i32
      %lt3A_57 = arith.cmpi slt, %add3A_56, %lt3A : i32
      %convert_element_type3A = arith.extui %lt3A_57 : i1 to i32
      %cond3A = arith.constant 0 : i32
      %cond3A_58 = arith.cmpi ne, %convert_element_type3A, %cond3A : i32
      scf.if %cond3A_58 {
        %ge3A = arith.constant 1 : i32
        %ge3A_95 = arith.cmpi sge, %add3A_54, %ge3A : i32
        %convert_element_type3A_96 = arith.extui %ge3A_95 : i1 to i32
        %cond3A_97 = arith.constant 0 : i32
        %cond3A_98 = arith.cmpi ne, %convert_element_type3A_96, %cond3A_97 : i32
        scf.if %cond3A_98 {
          %dma_wait3A_107 = arith.constant 0 : i32
          %dma_wait3A_108 = arith.constant 0 : i32
          %dma_wait3A_109 = tpu.memref_slice %arg2[%dma_wait3A_107, %dma_wait3A_108] : memref<20480x128xf32, #tpu.memory_space<hbm>> -> memref<80x128xf32, #tpu.memory_space<hbm>>
          %dma_wait3A_110 = arith.constant 0 : i32
          %dma_wait3A_111 = arith.constant 0 : i32
          %dma_wait3A_112 = tpu.memref_slice %arg2[%dma_wait3A_110, %dma_wait3A_111] : memref<20480x128xf32, #tpu.memory_space<hbm>> -> memref<80x128xf32, #tpu.memory_space<hbm>>
          tpu.wait_dma2 semaphore(%arg13 : memref<!tpu.dma_semaphore, #tpu.memory_space<semaphore_mem>>) src(%dma_wait3A_112 : memref<80x128xf32, #tpu.memory_space<hbm>>) dst(%arg9 : memref<80x128xf32, #tpu.memory_space<vmem>>)
        } else {
        }
        %add3A_99 = arith.constant 1 : i32
        %add3A_100 = arith.addi %add3A_54, %add3A_99 : i32
        %mul3A_101 = arith.constant 80 : i32
        %mul3A_102 = arith.muli %add3A_100, %mul3A_101 : i32
        %dma_start3A_103 = tpu.memref_slice %arg6[%mul3A_102] : memref<10240xi32, #tpu.memory_space<vmem>> -> memref<80xi32, #tpu.memory_space<vmem>>
        %dma_start3A_104 = arith.constant 0 : i32
        %dma_start3A_105 = arith.constant 0 : i32
        %dma_start3A_106 = tpu.memref_slice %arg2[%dma_start3A_104, %dma_start3A_105] : memref<20480x128xf32, #tpu.memory_space<hbm>> -> memref<20480x128xf32, #tpu.memory_space<hbm>>
        tpu.enqueue_indirect_dma source(%dma_start3A_106 : memref<20480x128xf32, #tpu.memory_space<hbm>>) target(%arg9 : memref<80x128xf32, #tpu.memory_space<vmem>>) offsets(%dma_start3A_103 : memref<80xi32, #tpu.memory_space<vmem>>) semaphore(%arg11 : memref<!tpu.dma_semaphore, #tpu.memory_space<semaphore_mem>>)
      } else {
      }
      %dma_wait3A_59 = arith.constant 0 : i32
      %dma_wait3A_60 = arith.constant 0 : i32
      %dma_wait3A_61 = tpu.memref_slice %arg2[%dma_wait3A_59, %dma_wait3A_60] : memref<20480x128xf32, #tpu.memory_space<hbm>> -> memref<80x128xf32, #tpu.memory_space<hbm>>
      %dma_wait3A_62 = arith.constant 0 : i32
      %dma_wait3A_63 = arith.constant 0 : i32
      %dma_wait3A_64 = tpu.memref_slice %arg2[%dma_wait3A_62, %dma_wait3A_63] : memref<20480x128xf32, #tpu.memory_space<hbm>> -> memref<80x128xf32, #tpu.memory_space<hbm>>
      tpu.wait_dma2 semaphore(%arg10 : memref<!tpu.dma_semaphore, #tpu.memory_space<semaphore_mem>>) src(%dma_wait3A_64 : memref<80x128xf32, #tpu.memory_space<hbm>>) dst(%arg8 : memref<80x128xf32, #tpu.memory_space<vmem>>)
      %dma_start3A_65 = arith.constant 0 : i32
      %dma_start3A_66 = tpu.memref_slice %arg7[%add3A_54, %dma_start3A_65] : memref<128x80xi32, #tpu.memory_space<vmem>> -> memref<1x80xi32, #tpu.memory_space<vmem>>
      %dma_start3A_67 = tpu.memref_squeeze %dma_start3A_66 : memref<1x80xi32, #tpu.memory_space<vmem>> -> memref<80xi32, #tpu.memory_space<vmem>>
      %dma_start3A_68 = arith.constant 0 : i32
      %dma_start3A_69 = arith.constant 0 : i32
      %dma_start3A_70 = tpu.memref_slice %arg14[%dma_start3A_68, %dma_start3A_69] : memref<10240x128xf32, #tpu.memory_space<vmem_shared>> -> memref<10240x128xf32, #tpu.memory_space<vmem_shared>>
      tpu.enqueue_indirect_dma source(%arg8 : memref<80x128xf32, #tpu.memory_space<vmem>>) target(%dma_start3A_70 : memref<10240x128xf32, #tpu.memory_space<vmem_shared>>) offsets(%dma_start3A_67 : memref<80xi32, #tpu.memory_space<vmem>>) semaphore(%arg12 : memref<!tpu.dma_semaphore, #tpu.memory_space<semaphore_mem>>) {add = true}
      %mul3A_71 = arith.constant 2 : i32
      %mul3A_72 = arith.muli %scan3A_49, %mul3A_71 : i32
      %add3A_73 = arith.constant 1 : i32
      %add3A_74 = arith.addi %mul3A_72, %add3A_73 : i32
      %add3A_75 = arith.constant 1 : i32
      %add3A_76 = arith.addi %add3A_74, %add3A_75 : i32
      %lt3A_77 = arith.constant 128 : i32
      %lt3A_78 = arith.cmpi slt, %add3A_76, %lt3A_77 : i32
      %convert_element_type3A_79 = arith.extui %lt3A_78 : i1 to i32
      %cond3A_80 = arith.constant 0 : i32
      %cond3A_81 = arith.cmpi ne, %convert_element_type3A_79, %cond3A_80 : i32
      scf.if %cond3A_81 {
        %ge3A = arith.constant 1 : i32
        %ge3A_95 = arith.cmpi sge, %add3A_74, %ge3A : i32
        %convert_element_type3A_96 = arith.extui %ge3A_95 : i1 to i32
        %cond3A_97 = arith.constant 0 : i32
        %cond3A_98 = arith.cmpi ne, %convert_element_type3A_96, %cond3A_97 : i32
        scf.if %cond3A_98 {
          %dma_wait3A_107 = arith.constant 0 : i32
          %dma_wait3A_108 = arith.constant 0 : i32
          %dma_wait3A_109 = tpu.memref_slice %arg2[%dma_wait3A_107, %dma_wait3A_108] : memref<20480x128xf32, #tpu.memory_space<hbm>> -> memref<80x128xf32, #tpu.memory_space<hbm>>
          %dma_wait3A_110 = arith.constant 0 : i32
          %dma_wait3A_111 = arith.constant 0 : i32
          %dma_wait3A_112 = tpu.memref_slice %arg2[%dma_wait3A_110, %dma_wait3A_111] : memref<20480x128xf32, #tpu.memory_space<hbm>> -> memref<80x128xf32, #tpu.memory_space<hbm>>
          tpu.wait_dma2 semaphore(%arg12 : memref<!tpu.dma_semaphore, #tpu.memory_space<semaphore_mem>>) src(%dma_wait3A_112 : memref<80x128xf32, #tpu.memory_space<hbm>>) dst(%arg8 : memref<80x128xf32, #tpu.memory_space<vmem>>)
        } else {
        }
        %add3A_99 = arith.constant 1 : i32
        %add3A_100 = arith.addi %add3A_74, %add3A_99 : i32
        %mul3A_101 = arith.constant 80 : i32
        %mul3A_102 = arith.muli %add3A_100, %mul3A_101 : i32
        %dma_start3A_103 = tpu.memref_slice %arg6[%mul3A_102] : memref<10240xi32, #tpu.memory_space<vmem>> -> memref<80xi32, #tpu.memory_space<vmem>>
        %dma_start3A_104 = arith.constant 0 : i32
        %dma_start3A_105 = arith.constant 0 : i32
        %dma_start3A_106 = tpu.memref_slice %arg2[%dma_start3A_104, %dma_start3A_105] : memref<20480x128xf32, #tpu.memory_space<hbm>> -> memref<20480x128xf32, #tpu.memory_space<hbm>>
        tpu.enqueue_indirect_dma source(%dma_start3A_106 : memref<20480x128xf32, #tpu.memory_space<hbm>>) target(%arg8 : memref<80x128xf32, #tpu.memory_space<vmem>>) offsets(%dma_start3A_103 : memref<80xi32, #tpu.memory_space<vmem>>) semaphore(%arg10 : memref<!tpu.dma_semaphore, #tpu.memory_space<semaphore_mem>>)
      } else {
      }
      %dma_wait3A_82 = arith.constant 0 : i32
      %dma_wait3A_83 = arith.constant 0 : i32
      %dma_wait3A_84 = tpu.memref_slice %arg2[%dma_wait3A_82, %dma_wait3A_83] : memref<20480x128xf32, #tpu.memory_space<hbm>> -> memref<80x128xf32, #tpu.memory_space<hbm>>
      %dma_wait3A_85 = arith.constant 0 : i32
      %dma_wait3A_86 = arith.constant 0 : i32
      %dma_wait3A_87 = tpu.memref_slice %arg2[%dma_wait3A_85, %dma_wait3A_86] : memref<20480x128xf32, #tpu.memory_space<hbm>> -> memref<80x128xf32, #tpu.memory_space<hbm>>
      tpu.wait_dma2 semaphore(%arg11 : memref<!tpu.dma_semaphore, #tpu.memory_space<semaphore_mem>>) src(%dma_wait3A_87 : memref<80x128xf32, #tpu.memory_space<hbm>>) dst(%arg9 : memref<80x128xf32, #tpu.memory_space<vmem>>)
      %dma_start3A_88 = arith.constant 0 : i32
      %dma_start3A_89 = tpu.memref_slice %arg7[%add3A_74, %dma_start3A_88] : memref<128x80xi32, #tpu.memory_space<vmem>> -> memref<1x80xi32, #tpu.memory_space<vmem>>
      %dma_start3A_90 = tpu.memref_squeeze %dma_start3A_89 : memref<1x80xi32, #tpu.memory_space<vmem>> -> memref<80xi32, #tpu.memory_space<vmem>>
      %dma_start3A_91 = arith.constant 0 : i32
      %dma_start3A_92 = arith.constant 0 : i32
      %dma_start3A_93 = tpu.memref_slice %arg14[%dma_start3A_91, %dma_start3A_92] : memref<10240x128xf32, #tpu.memory_space<vmem_shared>> -> memref<10240x128xf32, #tpu.memory_space<vmem_shared>>
      tpu.enqueue_indirect_dma source(%arg9 : memref<80x128xf32, #tpu.memory_space<vmem>>) target(%dma_start3A_93 : memref<10240x128xf32, #tpu.memory_space<vmem_shared>>) offsets(%dma_start3A_90 : memref<80xi32, #tpu.memory_space<vmem>>) semaphore(%arg13 : memref<!tpu.dma_semaphore, #tpu.memory_space<semaphore_mem>>) {add = true}
      %scan3A_94 = arith.constant 0 : i32
      scf.yield %scan3A_94 : i32
    }
    %scan3A_33 = arith.constant 64 : i32
    %dma_wait3A = arith.constant 0 : i32
    %dma_wait3A_34 = arith.constant 0 : i32
    %dma_wait3A_35 = tpu.memref_slice %arg2[%dma_wait3A, %dma_wait3A_34] : memref<20480x128xf32, #tpu.memory_space<hbm>> -> memref<80x128xf32, #tpu.memory_space<hbm>>
    %dma_wait3A_36 = arith.constant 0 : i32
    %dma_wait3A_37 = arith.constant 0 : i32
    %dma_wait3A_38 = tpu.memref_slice %arg2[%dma_wait3A_36, %dma_wait3A_37] : memref<20480x128xf32, #tpu.memory_space<hbm>> -> memref<80x128xf32, #tpu.memory_space<hbm>>
    tpu.wait_dma2 semaphore(%arg12 : memref<!tpu.dma_semaphore, #tpu.memory_space<semaphore_mem>>) src(%dma_wait3A_38 : memref<80x128xf32, #tpu.memory_space<hbm>>) dst(%arg8 : memref<80x128xf32, #tpu.memory_space<vmem>>)
    %dma_wait3A_39 = arith.constant 0 : i32
    %dma_wait3A_40 = arith.constant 0 : i32
    %dma_wait3A_41 = tpu.memref_slice %arg2[%dma_wait3A_39, %dma_wait3A_40] : memref<20480x128xf32, #tpu.memory_space<hbm>> -> memref<80x128xf32, #tpu.memory_space<hbm>>
    %dma_wait3A_42 = arith.constant 0 : i32
    %dma_wait3A_43 = arith.constant 0 : i32
    %dma_wait3A_44 = tpu.memref_slice %arg2[%dma_wait3A_42, %dma_wait3A_43] : memref<20480x128xf32, #tpu.memory_space<hbm>> -> memref<80x128xf32, #tpu.memory_space<hbm>>
    tpu.wait_dma2 semaphore(%arg13 : memref<!tpu.dma_semaphore, #tpu.memory_space<semaphore_mem>>) src(%dma_wait3A_44 : memref<80x128xf32, #tpu.memory_space<hbm>>) dst(%arg9 : memref<80x128xf32, #tpu.memory_space<vmem>>)
    %barrier3A_45 = arith.constant 0 : index
    tpu.barrier barrier_id(%barrier3A_45)
    %mul3A_46 = arith.constant 10240 : i32
    %mul3A_47 = arith.muli %arg0, %mul3A_46 : i32
    %add3A_48 = arith.addi %mul3A_47, %mul3A_7 : i32
    "tpu.region"() ({
      %run_scoped3A = tpu.sem_alloc : memref<!tpu.dma_semaphore, #tpu.memory_space<semaphore_mem>>
      %dma_start3A_49 = arith.constant 0 : i32
      %dma_start3A_50 = tpu.memref_slice %arg5[%add3A_48, %dma_start3A_49] : memref<20480x128xf32, #tpu.memory_space<hbm>> -> memref<640x128xf32, #tpu.memory_space<hbm>>
      %dma_start3A_51 = arith.constant 0 : i32
      %dma_start3A_52 = tpu.memref_slice %arg14[%mul3A_7, %dma_start3A_51] : memref<10240x128xf32, #tpu.memory_space<vmem_shared>> -> memref<640x128xf32, #tpu.memory_space<vmem_shared>>
      tpu.enqueue_dma source(%dma_start3A_52 : memref<640x128xf32, #tpu.memory_space<vmem_shared>>) target(%dma_start3A_50 : memref<640x128xf32, #tpu.memory_space<hbm>>) target_semaphore(%run_scoped3A : memref<!tpu.dma_semaphore, #tpu.memory_space<semaphore_mem>>)
      %dma_wait3A_53 = arith.constant 0 : i32
      %dma_wait3A_54 = tpu.memref_slice %arg5[%add3A_48, %dma_wait3A_53] : memref<20480x128xf32, #tpu.memory_space<hbm>> -> memref<640x128xf32, #tpu.memory_space<hbm>>
      %dma_wait3A_55 = arith.constant 0 : i32
      %dma_wait3A_56 = tpu.memref_slice %arg14[%mul3A_7, %dma_wait3A_55] : memref<10240x128xf32, #tpu.memory_space<vmem_shared>> -> memref<640x128xf32, #tpu.memory_space<vmem_shared>>
      tpu.wait_dma2 semaphore(%run_scoped3A : memref<!tpu.dma_semaphore, #tpu.memory_space<semaphore_mem>>) src(%dma_wait3A_56 : memref<640x128xf32, #tpu.memory_space<vmem_shared>>) dst(%dma_wait3A_54 : memref<640x128xf32, #tpu.memory_space<hbm>>)
      tpu.yield
    }) : () -> ()
    return
  }
}

module attributes {stable_mosaic.version = 14 : i64} {
  func.func @_tc_self_body(%arg0: i32, %arg1: memref<512x128xf32, #tpu.memory_space<vmem>>, %arg2: memref<512x128xf32, #tpu.memory_space<vmem>>, %arg3: memref<256x256xf32, #tpu.memory_space<vmem>>, %arg4: memref<1x256xf32, #tpu.memory_space<vmem>>, %arg5: memref<512x256xf32, #tpu.memory_space<vmem>>) attributes {dimension_semantics = [#tpu.dimension_semantics<arbitrary>], iteration_bounds = array<i64: 20>, scalar_prefetch = 0 : i64, scratch_operands = 0 : i64, tpu.core_type = #tpu.core_type<tc>, window_params = [{transform_indices = @transform_0, window_bounds = array<i64: 512, 128>}, {transform_indices = @transform_1, window_bounds = array<i64: 512, 128>}, {pipeline_mode = #tpu.pipeline_mode<synchronous>, transform_indices = @transform_2, window_bounds = array<i64: 256, 256>}, {pipeline_mode = #tpu.pipeline_mode<synchronous>, transform_indices = @transform_3, window_bounds = array<i64: 1, 256>}, {transform_indices = @transform_4, window_bounds = array<i64: 512, 256>}]} {
    %get3A = arith.constant 0 : index
    %get3A_0 = arith.constant 0 : index
    %get3A_1 = vector.load %arg1[%get3A, %get3A_0] : memref<512x128xf32, #tpu.memory_space<vmem>>, vector<512x128xf32>
    %get3A_2 = arith.constant 0 : index
    %get3A_3 = arith.constant 0 : index
    %get3A_4 = vector.load %arg3[%get3A_2, %get3A_3] : memref<256x256xf32, #tpu.memory_space<vmem>>, vector<128x256xf32>
    %dot_general3A = arith.constant dense<0.000000e+00> : vector<512x256xf32>
    %dot_general3A_5 = tpu.matmul %get3A_1, %get3A_4, %dot_general3A {dimension_numbers = #tpu.dot_dimension_numbers<[1], [0], [0], [1], [0, 0, 1, 1], [], []>, transpose_lhs_hint = false} : vector<512x128xf32>, vector<128x256xf32>, vector<512x256xf32> -> vector<512x256xf32>
    %get3A_6 = arith.constant 0 : index
    %get3A_7 = arith.constant 0 : index
    %get3A_8 = vector.load %arg2[%get3A_6, %get3A_7] : memref<512x128xf32, #tpu.memory_space<vmem>>, vector<512x128xf32>
    %get3A_9 = arith.constant 128 : index
    %get3A_10 = arith.constant 0 : index
    %get3A_11 = vector.load %arg3[%get3A_9, %get3A_10] : memref<256x256xf32, #tpu.memory_space<vmem>>, vector<128x256xf32>
    %dot_general3A_12 = arith.constant dense<0.000000e+00> : vector<512x256xf32>
    %dot_general3A_13 = tpu.matmul %get3A_8, %get3A_11, %dot_general3A_12 {dimension_numbers = #tpu.dot_dimension_numbers<[1], [0], [0], [1], [0, 0, 1, 1], [], []>, transpose_lhs_hint = false} : vector<512x128xf32>, vector<128x256xf32>, vector<512x256xf32> -> vector<512x256xf32>
    %add3A = arith.addf %dot_general3A_5, %dot_general3A_13 : vector<512x256xf32>
    %get3A_14 = arith.constant 0 : index
    %get3A_15 = arith.constant 0 : index
    %get3A_16 = vector.load %arg4[%get3A_14, %get3A_15] : memref<1x256xf32, #tpu.memory_space<vmem>>, vector<1x256xf32>
    %add3A_17 = vector.broadcast %get3A_16 : vector<1x256xf32> to vector<512x256xf32>
    %add3A_18 = arith.addf %add3A, %add3A_17 : vector<512x256xf32>
    %swap3A = arith.constant 0 : index
    %swap3A_19 = arith.constant 0 : index
    %swap3A_20 = vector.load %arg5[%swap3A, %swap3A_19] : memref<512x256xf32, #tpu.memory_space<vmem>>, vector<512x256xf32>
    tpu.vector_store %arg5[%swap3A, %swap3A_19], %add3A_18 {strides = array<i32>} : memref<512x256xf32, #tpu.memory_space<vmem>>, vector<512x256xf32>,
    return
  }
  func.func @transform_0(%arg0: i32) -> (i32, i32) {
    %c0_i32 = arith.constant 0 : i32
    %c0_i32_0 = arith.constant 0 : i32
    return %arg0, %c0_i32 : i32, i32
  }
  func.func @transform_1(%arg0: i32) -> (i32, i32) {
    %add3A = arith.constant 20 : i32
    %add3A_0 = arith.addi %arg0, %add3A : i32
    %c0_i32 = arith.constant 0 : i32
    %c0_i32_1 = arith.constant 0 : i32
    return %add3A_0, %c0_i32 : i32, i32
  }
  func.func @transform_2(%arg0: i32) -> (i32, i32) {
    %c0_i32 = arith.constant 0 : i32
    %c0_i32_0 = arith.constant 0 : i32
    %c0_i32_1 = arith.constant 0 : i32
    return %c0_i32, %c0_i32_0 : i32, i32
  }
  func.func @transform_3(%arg0: i32) -> (i32, i32) {
    %c0_i32 = arith.constant 0 : i32
    %c0_i32_0 = arith.constant 0 : i32
    %c0_i32_1 = arith.constant 0 : i32
    return %c0_i32, %c0_i32_0 : i32, i32
  }
  func.func @transform_4(%arg0: i32) -> (i32, i32) {
    %c0_i32 = arith.constant 0 : i32
    %c0_i32_0 = arith.constant 0 : i32
    return %arg0, %c0_i32 : i32, i32
  }
}

module attributes {stable_mosaic.version = 14 : i64} {
  func.func @_tc_neigh_body(%arg0: i32, %arg1: memref<512x256xf32, #tpu.memory_space<vmem>>, %arg2: memref<512x128xf32, #tpu.memory_space<vmem>>, %arg3: memref<512x128xf32, #tpu.memory_space<vmem>>, %arg4: memref<64x128xf32, #tpu.memory_space<vmem>>, %arg5: memref<64x128xf32, #tpu.memory_space<vmem>>, %arg6: memref<256x256xf32, #tpu.memory_space<vmem>>, %arg7: memref<1x1xf32, #tpu.memory_space<vmem>>, %arg8: memref<512x128xf32, #tpu.memory_space<vmem>>, %arg9: memref<512x128xf32, #tpu.memory_space<vmem>>) attributes {dimension_semantics = [#tpu.dimension_semantics<arbitrary>], iteration_bounds = array<i64: 20>, scalar_prefetch = 0 : i64, scratch_operands = 0 : i64, tpu.core_type = #tpu.core_type<tc>, window_params = [{transform_indices = @transform_0, window_bounds = array<i64: 512, 256>}, {transform_indices = @transform_1, window_bounds = array<i64: 512, 128>}, {transform_indices = @transform_2, window_bounds = array<i64: 512, 128>}, {transform_indices = @transform_3, window_bounds = array<i64: 64, 128>}, {transform_indices = @transform_4, window_bounds = array<i64: 64, 128>}, {pipeline_mode = #tpu.pipeline_mode<synchronous>, transform_indices = @transform_5, window_bounds = array<i64: 256, 256>}, {pipeline_mode = #tpu.pipeline_mode<synchronous>, transform_indices = @transform_6, window_bounds = array<i64: 1, 1>}, {transform_indices = @transform_7, window_bounds = array<i64: 512, 128>}, {transform_indices = @transform_8, window_bounds = array<i64: 512, 128>}]} {
    %get3A = arith.constant 0 : index
    %get3A_0 = arith.constant 0 : index
    %get3A_1 = vector.load %arg4[%get3A, %get3A_0] : memref<64x128xf32, #tpu.memory_space<vmem>>, vector<64x128xf32>
    %get3A_2 = arith.constant 0 : index
    %get3A_3 = arith.constant 0 : index
    %get3A_4 = vector.load %arg5[%get3A_2, %get3A_3] : memref<64x128xf32, #tpu.memory_space<vmem>>, vector<64x128xf32>
    %add3A = arith.addf %get3A_1, %get3A_4 : vector<64x128xf32>
    %reshape3A = vector.shape_cast %add3A : vector<64x128xf32> to vector<64x8x16xf32>
    %slice3A = vector.extract_strided_slice %reshape3A {offsets = [0, 0, 0], sizes = [64, 8, 1], strides = [1, 1, 1]} : vector<64x8x16xf32> to vector<64x8x1xf32>
    %squeeze3A = vector.shape_cast %slice3A : vector<64x8x1xf32> to vector<64x8xf32>
    %reshape3A_5 = vector.shape_cast %squeeze3A : vector<64x8xf32> to vector<512x1xf32>
    %max3A = arith.constant 1.000000e+00 : f32
    %max3A_6 = vector.broadcast %max3A : f32 to vector<512x1xf32>
    %max3A_7 = arith.maximumf %reshape3A_5, %max3A_6 : vector<512x1xf32>
    %div3A = arith.constant 1.000000e+00 : f32
    %div3A_8 = vector.broadcast %div3A : f32 to vector<512x1xf32>
    %div3A_9 = arith.divf %div3A_8, %max3A_7 : vector<512x1xf32>
    %get3A_10 = arith.constant 0 : index
    %get3A_11 = arith.constant 0 : index
    %get3A_12 = vector.load %arg1[%get3A_10, %get3A_11] : memref<512x256xf32, #tpu.memory_space<vmem>>, vector<512x256xf32>
    %get3A_13 = arith.constant 0 : index
    %get3A_14 = arith.constant 0 : index
    %get3A_15 = vector.load %arg2[%get3A_13, %get3A_14] : memref<512x128xf32, #tpu.memory_space<vmem>>, vector<512x128xf32>
    %mul3A = vector.broadcast %div3A_9 : vector<512x1xf32> to vector<512x128xf32>
    %mul3A_16 = arith.mulf %get3A_15, %mul3A : vector<512x128xf32>
    %get3A_17 = arith.constant 0 : index
    %get3A_18 = arith.constant 0 : index
    %get3A_19 = vector.load %arg6[%get3A_17, %get3A_18] : memref<256x256xf32, #tpu.memory_space<vmem>>, vector<128x256xf32>
    %dot_general3A = arith.constant dense<0.000000e+00> : vector<512x256xf32>
    %dot_general3A_20 = tpu.matmul %mul3A_16, %get3A_19, %dot_general3A {dimension_numbers = #tpu.dot_dimension_numbers<[1], [0], [0], [1], [0, 0, 1, 1], [], []>, transpose_lhs_hint = false} : vector<512x128xf32>, vector<128x256xf32>, vector<512x256xf32> -> vector<512x256xf32>
    %add3A_21 = arith.addf %get3A_12, %dot_general3A_20 : vector<512x256xf32>
    %get3A_22 = arith.constant 0 : index
    %get3A_23 = arith.constant 0 : index
    %get3A_24 = vector.load %arg3[%get3A_22, %get3A_23] : memref<512x128xf32, #tpu.memory_space<vmem>>, vector<512x128xf32>
    %mul3A_25 = vector.broadcast %div3A_9 : vector<512x1xf32> to vector<512x128xf32>
    %mul3A_26 = arith.mulf %get3A_24, %mul3A_25 : vector<512x128xf32>
    %get3A_27 = arith.constant 128 : index
    %get3A_28 = arith.constant 0 : index
    %get3A_29 = vector.load %arg6[%get3A_27, %get3A_28] : memref<256x256xf32, #tpu.memory_space<vmem>>, vector<128x256xf32>
    %dot_general3A_30 = arith.constant dense<0.000000e+00> : vector<512x256xf32>
    %dot_general3A_31 = tpu.matmul %mul3A_26, %get3A_29, %dot_general3A_30 {dimension_numbers = #tpu.dot_dimension_numbers<[1], [0], [0], [1], [0, 0, 1, 1], [], []>, transpose_lhs_hint = false} : vector<512x128xf32>, vector<128x256xf32>, vector<512x256xf32> -> vector<512x256xf32>
    %add3A_32 = arith.addf %add3A_21, %dot_general3A_31 : vector<512x256xf32>
    %get3A_33 = arith.constant 0 : index
    %get3A_34 = arith.constant 0 : index
    %get3A_35 = vector.load %arg7[%get3A_33, %get3A_34] : memref<1x1xf32, #tpu.memory_space<vmem>>, vector<1x1xf32>
    %get3A_36 = vector.extract %get3A_35[0, 0] : f32 from vector<1x1xf32>
    %gt3A = arith.constant 5.000000e-01 : f32
    %gt3A_37 = arith.cmpf ogt, %get3A_36, %gt3A : f32
    %max3A_38 = arith.constant 0.000000e+00 : f32
    %max3A_39 = vector.broadcast %max3A_38 : f32 to vector<512x256xf32>
    %max3A_40 = arith.maximumf %add3A_32, %max3A_39 : vector<512x256xf32>
    %select_n3A = arith.select %gt3A_37, %max3A_40, %add3A_32 : vector<512x256xf32>
    %slice3A_41 = vector.extract_strided_slice %select_n3A {offsets = [0, 0], sizes = [512, 128], strides = [1, 1]} : vector<512x256xf32> to vector<512x128xf32>
    %swap3A = arith.constant 0 : index
    %swap3A_42 = arith.constant 0 : index
    %swap3A_43 = vector.load %arg8[%swap3A, %swap3A_42] : memref<512x128xf32, #tpu.memory_space<vmem>>, vector<512x128xf32>
    tpu.vector_store %arg8[%swap3A, %swap3A_42], %slice3A_41 {strides = array<i32>} : memref<512x128xf32, #tpu.memory_space<vmem>>, vector<512x128xf32>,
    %slice3A_44 = vector.extract_strided_slice %select_n3A {offsets = [0, 128], sizes = [512, 128], strides = [1, 1]} : vector<512x256xf32> to vector<512x128xf32>
    %swap3A_45 = arith.constant 0 : index
    %swap3A_46 = arith.constant 0 : index
    %swap3A_47 = vector.load %arg9[%swap3A_45, %swap3A_46] : memref<512x128xf32, #tpu.memory_space<vmem>>, vector<512x128xf32>
    tpu.vector_store %arg9[%swap3A_45, %swap3A_46], %slice3A_44 {strides = array<i32>} : memref<512x128xf32, #tpu.memory_space<vmem>>, vector<512x128xf32>,
    return
  }
  func.func @transform_0(%arg0: i32) -> (i32, i32) {
    %c0_i32 = arith.constant 0 : i32
    %c0_i32_0 = arith.constant 0 : i32
    return %arg0, %c0_i32 : i32, i32
  }
  func.func @transform_1(%arg0: i32) -> (i32, i32) {
    %c0_i32 = arith.constant 0 : i32
    %c0_i32_0 = arith.constant 0 : i32
    return %arg0, %c0_i32 : i32, i32
  }
  func.func @transform_2(%arg0: i32) -> (i32, i32) {
    %add3A = arith.constant 20 : i32
    %add3A_0 = arith.addi %arg0, %add3A : i32
    %c0_i32 = arith.constant 0 : i32
    %c0_i32_1 = arith.constant 0 : i32
    return %add3A_0, %c0_i32 : i32, i32
  }
  func.func @transform_3(%arg0: i32) -> (i32, i32) {
    %c0_i32 = arith.constant 0 : i32
    %c0_i32_0 = arith.constant 0 : i32
    return %arg0, %c0_i32 : i32, i32
  }
  func.func @transform_4(%arg0: i32) -> (i32, i32) {
    %add3A = arith.constant 20 : i32
    %add3A_0 = arith.addi %arg0, %add3A : i32
    %c0_i32 = arith.constant 0 : i32
    %c0_i32_1 = arith.constant 0 : i32
    return %add3A_0, %c0_i32 : i32, i32
  }
  func.func @transform_5(%arg0: i32) -> (i32, i32) {
    %c0_i32 = arith.constant 0 : i32
    %c0_i32_0 = arith.constant 0 : i32
    %c0_i32_1 = arith.constant 0 : i32
    return %c0_i32, %c0_i32_0 : i32, i32
  }
  func.func @transform_6(%arg0: i32) -> (i32, i32) {
    %c0_i32 = arith.constant 0 : i32
    %c0_i32_0 = arith.constant 0 : i32
    %c0_i32_1 = arith.constant 0 : i32
    return %c0_i32, %c0_i32_0 : i32, i32
  }
  func.func @transform_7(%arg0: i32) -> (i32, i32) {
    %c0_i32 = arith.constant 0 : i32
    %c0_i32_0 = arith.constant 0 : i32
    return %arg0, %c0_i32 : i32, i32
  }
  func.func @transform_8(%arg0: i32) -> (i32, i32) {
    %c0_i32 = arith.constant 0 : i32
    %c0_i32_0 = arith.constant 0 : i32
    return %arg0, %c0_i32 : i32, i32
  }
}

</mosaic_0001>

<sc_bundles>
// kernel: closed_call.12.cloned.1.call-start
scs
__scs_entry_jumppad:
0x0: {  	(pc) =	sbr.rel $0x88, $3  }
0x1: {  	(tag) =	ssettag $0x0;
	lr =	simm.s32 $0x1  }
0x2: {  	[smem:$0x3F99] =	sst lr;
	_ =	strace $0xD0000000  }
0x3: {  	_ = 	snop  }
0x4: {  	_ = 	snop  }
0x5: {  	_ = 	snop  }
0x6: {  	_ = 	snop  }
0x7: {  	_ = 	snop  }
__scs_overlays_trampoline_lowered:
0x8: {  	[smem:$0x3FA8] =	sst s0  }
0x9: {  	[smem:$0x3FA9] =	sst s1  }
0xa: {  	[smem:$0x3FAA] =	sst s2  }
0xb: {  	[smem:$0x3FAB] =	sst s3  }
0xc: {  	[smem:$0x3FAC] =	sst s4  }
0xd: {  	[smem:$0x3FAD] =	sst s5  }
0xe: {  	[smem:$0x3FAE] =	sst s6  }
0xf: {  	[smem:$0x3FAF] =	sst s7  }
0x10: {  	[smem:$0x3FB0] =	sst s8  }
0x11: {  	[smem:$0x3FB1] =	sst s9;
	s0 =	simm.s32 @!p0 $0x0  }
0x12: {  	s1 =	sld [smem:$0x3F97];
	s0 =	simm.s32 @p0 $0x1  }
0x13: {  	[smem:$0x3FB2] =	sst s0;
	s0 =	simm.s32 @!p1 $0x0  }
0x14: {  	s2 =	sld [smem:$0x3F96];
	s0 =	simm.s32 @p1 $0x1  }
0x15: {  	[smem:$0x3FB3] =	sst s0;
	s0 =	simm.s32 @!p2 $0x0  }
0x16: {  	s3 =	sld [smem:$0x3FDB];
	s0 =	simm.s32 @p2 $0x1  }
0x17: {  	s4 =	simm.s32 $0x1BF5;
	[smem:$0x3FB5] =	sst s0  }
0x18: {  	s0 =	sld [smem:$0x3F98];
	_ =	swait.ge [sflag:s4], $0x0  }
0x19: {  	s7 =	sld [smem:$0x3F99]  }
0x1a: {  	s8 =	sadd.s32 $0xFFFFE003, lr  }
0x1b: {  	s9 =	sadd.s32 $0xFFFFFEF7, lr;
	s5 =	simm.s32 $0xFFFFFFFF;
	p2 =	slt.u32 s8, $0xFFFFF086  }
0x1c: {  	p1 =	slt.u32 s9, $0xF7A;
	s5 =	simm.s32 @!p2 $0x0  }
0x1d: {  	s5 =	simm.s32 @p1 $0x1;
	p0 =	seq.s32 s7, s2  }
0x1e: {  	s7 =	smul.u32 @!p0 $0xF7A, s2;
	p2 =	seq.s32 @!p0 s5, $0x0  }
0x1f: {  	s9 =	smul.u32 $0xF7A, s1;
	s8 =	simm.s32 @!p0 $0x1BF5;
	p2 =	por !p2, p0  }
0x20: {  	[sflag:s8] =	ssyncset.s32 @!p0 $0xFFFFF086;
	s6 =	sadd.s32 @!p0 s3, s7;
	s7 =	simm.s32 @!p0 $0x108  }
0x21: {  	s3 =	sadd.s32 s3, s9;
	s6 =	sadd.s32 @!p0 $0x88, s6;
	s7 =	simm.s32 @p2 $0x1082  }
0x22: {  	[simem:s7], [sflag:s8] =	dma.local @!p0 [hbm:s6], $0xF7A  }
0x23: {  	s9 =	sor.u32 $0xD0000000, s2;
	s6 =	simm.s32 $0x108;
	_ =	swait.ge @!p0 [sflag:s8], $0x0  }
0x24: {  	s3 =	sadd.s32 $0x88, s3;
	s6 =	simm.s32 @!p1 $0x1082;
	[sflag:s4] =	ssyncset.s32 $0xFFFFF086  }
0x25: {  	[simem:s6], [sflag:s4] =	dma.local [hbm:s3], $0xF7A  }
0x26: {  	[smem:$0x3F99] =	sst s1;
	(tag) =	ssettag s2;
	_ =	strace s9  }
0x27: {  	s1 =	sld [smem:$0x3FA9]  }
0x28: {  	s2 =	sld [smem:$0x3FAA]  }
0x29: {  	s4 =	sld [smem:$0x3FAC]  }
0x2a: {  	p0 =	seq.s32 s5, $0x0;
	s5 =	sld [smem:$0x3FAD]  }
0x2b: {  	s6 =	sld [smem:$0x3FAE]  }
0x2c: {  	s7 =	sld [smem:$0x3FAF]  }
0x2d: {  	s3 =	simm.s32 $0x108;
	s8 =	sld [smem:$0x3FB0]  }
0x2e: {  	s3 =	simm.s32 @!p0 $0x1082;
	s9 =	sld [smem:$0x3FB1]  }
0x2f: {  	lr =	sadd.s32 s0, s3;
	s0 =	sld [smem:$0x3FA8]  }
0x30: {  	s3 =	sld [smem:$0x3FAB]  }
0x31: {  	[smem:$0x3FB4] =	sst s10  }
0x32: {  	s10 =	sld [smem:$0x3FB2];
	_ =	sdelay $0x3  }
0x33: {  	p0 =	seq.s32 s10, $0x1;
	s10 =	sld [smem:$0x3FB4];
	_ =	sdelay $0x3  }
0x34: {  	[smem:$0x3FB4] =	sst s10  }
0x35: {  	s10 =	sld [smem:$0x3FB3];
	_ =	sdelay $0x3  }
0x36: {  	p1 =	seq.s32 s10, $0x1;
	s10 =	sld [smem:$0x3FB4];
	_ =	sdelay $0x3  }
0x37: {  	[smem:$0x3FB4] =	sst s10  }
0x38: {  	s10 =	sld [smem:$0x3FB5]  }
0x39: {  	_ = 	snop;
	(pc) =	sbr.ind lr, $3  }
0x3a: {  	_ = 	snop  }
0x3b: {  	_ = 	snop  }
0x3c: {  	p2 =	seq.s32 s10, $0x1;
	s10 =	sld [smem:$0x3FB4]  }
0x3d: {  	_ =	shalt  }
0x3e: {  	_ =	shalt  }
0x3f: {  	_ =	shalt  }
0x40: {  	_ =	shalt  }
0x41: {  	_ =	shalt  }
0x42: {  	_ =	shalt  }
0x43: {  	_ =	shalt  }
0x44: {  	_ =	shalt  }
0x45: {  	_ =	shalt  }
0x46: {  	_ =	shalt  }
0x47: {  	_ =	shalt  }
0x48: {  	_ =	shalt  }
0x49: {  	_ =	shalt  }
0x4a: {  	_ =	shalt  }
0x4b: {  	_ =	shalt  }
0x4c: {  	_ =	shalt  }
0x4d: {  	_ =	shalt  }
0x4e: {  	_ =	shalt  }
0x4f: {  	_ =	shalt  }
0x50: {  	_ =	shalt  }
0x51: {  	_ =	shalt  }
0x52: {  	_ =	shalt  }
0x53: {  	_ =	shalt  }
0x54: {  	_ =	shalt  }
0x55: {  	_ =	shalt  }
0x56: {  	_ =	shalt  }
0x57: {  	_ =	shalt  }
0x58: {  	_ =	shalt  }
0x59: {  	_ =	shalt  }
0x5a: {  	_ =	shalt  }
0x5b: {  	_ =	shalt  }
0x5c: {  	_ =	shalt  }
0x5d: {  	_ =	shalt  }
0x5e: {  	_ =	shalt  }
0x5f: {  	_ =	shalt  }
0x60: {  	_ =	shalt  }
0x61: {  	_ =	shalt  }
0x62: {  	_ =	shalt  }
0x63: {  	_ =	shalt  }
0x64: {  	_ =	shalt  }
0x65: {  	_ =	shalt  }
0x66: {  	_ =	shalt  }
0x67: {  	_ =	shalt  }
0x68: {  	_ =	shalt  }
0x69: {  	_ =	shalt  }
0x6a: {  	_ =	shalt  }
0x6b: {  	_ =	shalt  }
0x6c: {  	_ =	shalt  }
0x6d: {  	_ =	shalt  }
0x6e: {  	_ =	shalt  }
0x6f: {  	_ =	shalt  }
0x70: {  	_ =	shalt  }
0x71: {  	_ =	shalt  }
0x72: {  	_ =	shalt  }
0x73: {  	_ =	shalt  }
0x74: {  	_ =	shalt  }
0x75: {  	_ =	shalt  }
0x76: {  	_ =	shalt  }
0x77: {  	_ =	shalt  }
0x78: {  	_ =	shalt  }
0x79: {  	_ =	shalt  }
0x7a: {  	_ =	shalt  }
0x7b: {  	_ =	shalt  }
0x7c: {  	_ =	shalt  }
0x7d: {  	_ =	shalt  }
0x7e: {  	_ =	shalt  }
0x7f: {  	_ =	shalt  }
0x80: {  	_ =	shalt  }
0x81: {  	_ =	shalt  }
0x82: {  	_ =	shalt  }
0x83: {  	_ =	shalt  }
0x84: {  	_ =	shalt  }
0x85: {  	_ =	shalt  }
0x86: {  	_ =	shalt  }
0x87: {  	_ =	shalt  }
.Lfunc_end0:
.L_simem_size_0:
called_computation_lowered:
.L_overlay_start_0:
0x88: {  	s2 =	sld [smem:$0x3FD9]  }
0x89: {  	s3 =	sld [smem:$0x3FFE];
	_ =	sdelay $0x1  }
0x8a: {  	s1 =	srdreg.scid  }
0x8b: {  	s0 =	sand.u32 $0x1, s1  }
0x8c: {  	s17 =	sshll.u32 s0, $0xA;
	s2 =	sadd.s32 s3, s2  }
0x8d: {  	s2 =	sadd.s32 s2, s17  }
0x8e: {  	[smem:$0x3FC0] =	sst s2  }
0x8f: {  	_ = 	snop  }
0x90: {  	s2 =	sld [smem:$0x3FD0];
	(tm) =	ssettm $0x1  }
0x91: {  	s18 =	sld [smem:$0x3FFB];
	_ =	sdelay $0x3  }
0x92: {  	_ =	strace s18  }
0x93: {  	s3 =	sld [smem:$0x3FFC];
	_ =	sdelay $0x3  }
0x94: {  	_ =	strace s3  }
0x95: {  	s3 =	sld [smem:$0x3FFD];
	_ =	sdelay $0x3  }
0x96: {  	_ =	strace s3  }
0x97: {  	_ =	strace $0x8FFFFFFF  }
0x98: {  	s19 =	sld [smem:$0x3FDB];
	_ =	sdelay $0x1  }
0x99: {  	s4 =	simm.s32 $_scs_section_size  }
0x9a: {  	s5 =	simm.s32 $_size__tile_overlayer_lowered;
	s6 =	simm.s32 $_tile_overlayer_lowered  }
0x9b: {  	s22 =	simm.s32 $0x1BFF;
	s21 =	sshll.u32 s6, $0x1;
	s3 =	sadd.s32 s4, s19  }
0x9c: {  	s7 =	simm.s32 $0x0;
	s20 =	sshll.u32 s5, $0x1;
	s5 =	sadd.s32 s21, s3  }
0x9d: {  	[timem:s7], [sflag:s22] =	dma.local [hbm:s5], s20  }
0x9e: {  	_ =	swait.ge [sflag:s22], s20  }
0x9f: {  	s4 =	ssub.s32 $0x0, s20;
	[sflag:s22] =	ssyncset.done $0x0  }
0xa0: {  	[sflag:s22] =	ssyncadd.s32 s4;
	_ =	sdelay $0x1  }
0xa1: {  	s23 =	simm.s32 $0x1B8B  }
0xa2: {  	_ =	swait.ge [sflag:s23], $0x1  }
0xa3: {  	[sflag:s23] =	ssyncset.done $0x0  }
0xa4: {  	s25 =	simm.s32 $0x1B8E;
	s24 =	sld [smem:$0x3FFE];
	[sflag:s23] =	ssyncadd.s32 $0xFFFFFFFF  }
0xa5: {  	s26 =	simm.s32 $execute0_lowered;
	[smem:$0x3FD2] =	sst s25  }
0xa6: {  	s5 =	sshll.u32 s26, $0x1;
	_ =	strace $0x80000049;
	[dreg:$0x1] =	wrdreg $0xFFFFFFFF  }
0xa7: {  	s28 =	simm.s32 $_size_execute0_lowered;
	s3 =	sadd.s32 s3, s5;
	[dreg:$0x0] =	wrdreg $0x0  }
0xa8: {  	s5 =	sshll.u32 s28, $0x1;
	[dreg:$0x2] =	wrdreg s3  }
0xa9: {  	[dreg:$0x3] =	wrdreg s5  }
0xaa: {  	[dreg:$0x4] =	wrdreg $0xC0  }
0xab: {  	_ =	task [dreg:s7], $0x5FFFF  }
0xac: {  	[dreg:$0x1] =	wrdreg $0xFFFFFFFF  }
0xad: {  	[dreg:$0x0] =	wrdreg $0x60  }
0xae: {  	[dreg:$0x2] =	wrdreg s24  }
0xaf: {  	[dreg:$0x3] =	wrdreg s2  }
0xb0: {  	[dreg:$0x4] =	wrdreg $0xB8000  }
0xb1: {  	[dreg:$0x5] =	wrdreg $0x9  }
0xb2: {  	_ =	task.clear_ibuf [dreg:s7], $0x6FFFF;
	_ =	strace $0x90000049  }
0xb3: {  	s29 =	simm.s32 $0x9;
	_ =	strace $0x8000004B  }
0xb4: {  	_ =	swait.ge [sflag:s29], $0x1  }
0xb5: {  	[sflag:s29] =	ssyncadd.s32 $0xFFFFFFFF  }
0xb6: {  	_ =	strace $0x9000004B  }
0xb7: {  	_ =	sfence  }
0xb8: {  	s30 =	sld [smem:$0x0];
	_ =	sdelay $0x2  }
0xb9: {  	s31 =	sshll.u32 s1, $0xD;
	s1 =	sshrl.u32 s1, $0x2  }
0xba: {  	s3 =	sand.u32 $0x4000, s31;
	s1 =	sadd.s32 s1, s30  }
0xbb: {  	s0 =	sor.u32 s3, s0;
	s1 =	sshll.u32 s1, $0x11  }
0xbc: {  	s0 =	sor.u32 s1, s0  }
0xbd: {  	s0 =	sadd.s32 $0x8F2B, s0  }
0xbe: {  	[sflag:s0] =	ssyncadd.remote.s32 $0x1  }
0xbf: {  	_ =	sfence.sel $0xFFFF  }
0xc0: {  	[dreg:$0x0] =	wrdreg $0xFFFFFFFF;
	(pc) =	sbr.abs _section_cstart, $3  }
0xc1: {  	[dreg:$0x1] =	wrdreg $0xFFFFFFFF  }
0xc2: {  	_ =	task.clear_ibuf [dreg:s7], $0x2FFFF;
	_ =	strace $0x9FFFFFFF  }
0xc3: {  	(tm) =	ssettm $0x7FFFFFFF  }
tec
execute0_lowered:
.L_overlay_start_1:
0x0: {  	(tag) =	ssettag $0x1  }
0x1: {  	s0 =	rddreg [dreg:$0x0]  }
0x2: {  	s2 =	rddreg [dreg:$0x1]  }
0x3: {  	s1 =	rddreg [dreg:$0x2];
	s3 =	simm.s32 $0x0  }
0x4: {  	s4 =	srdreg.scid;
	s11 =	stileid.u32;
	s19 =	simm.s32 $0x5  }
0x5: {  	s20 =	simm.s32 $0x2800;
	s21 =	simm.s32 $0x6800;
	s22 =	simm.s32 $0x50  }
0x6: {  	s23 =	simm.s32 $0x9000;
	s24 =	simm.s32 $0x1;
	s28 =	simm.s32 $0x2  }
0x7: {  	s30 =	simm.s32 $0x4;
	s17 =	simm.s32 $0x6780;
	s18 =	simm.s32 $0x0  }
0x8: {  	[smem:$0x7FF] =	sst s3;
	s5 =	sand.u32 $0x1, s4;
	s7 =	smul.u32 $0x2800, s11  }
0x9: {  	s8 =	sshrl.u32 s11, $0x3;
	s4 =	sadd.s32 $0xD400, s0;
	s26 =	smul.u32 $0x50000, s11  }
0xa: {  	s9 =	sshll.u32 s11, $0xB;
	s10 =	sshll.u32 s11, $0x7;
	s6 =	smul.u32 $0x28000, s5  }
0xb: {  	_ =	strace $0x8000004A;
	s8 =	smul.u32 $0x14000, s8;
	s5 =	ssub.s32 $0x2, s5  }
0xc: {  	s9 =	sadd.s32 s9, s0;
	s25 =	sand.u32 $0x380, s10;
	s29 =	sshrl.u32 s5, $0x1  }
0xd: {  	s31 =	sshrl.u32 s26, $0x2;
	s7 =	sadd.s32 s7, s6;
	s6 =	sadd.s32 s6, s8  }
0xe: {  	s16 =	ssub.s32 s5, s29;
	s0 =	sadd.s32 s7, s0;
	s6 =	sor.u32 s25, s6  }
0xf: {  	s7 =	sadd.s32 $0x5D400, s9;
	s16 =	smax.u32 s16, $0x1;
	s6 =	sshrl.u32 s6, $0x3  }
0x10: {  	s25 =	simm.s32 $0x3;
	s5 =	sadd.s32 s2, s6;
	s6 =	sadd.s32 s31, s1  }
0x11: {  	s15 =	sadd.s32 $0x65400, s0;
	s0 =	simm.s32 $0x6700;
	s8 =	sadd.s32 $0x2800, s6  }
0x12: {  	s9 =	sadd.s32 $0x5000, s6;
	s10 =	sadd.s32 $0x7800, s6;
	s11 =	sadd.s32 $0xA000, s6  }
0x13: {  	v0 =	vimm.f32 $0.0e+00;
	s12 =	sadd.s32 $0xC800, s6;
	s13 =	sadd.s32 $0xF000, s6;
	s14 =	sadd.s32 $0x11800, s6  }
.LBB2_1:
0x14: {  	s2 =	simm.s32 $0x0;
	s26 =	simm.s32 $0x200  }
.LBB2_2:
0x15: {  	p0 =	sne.s32 s26, $0x9E00;
	[tilespmem:s2+$0x6870] =	vst v0  }
0x16: {  	[tilespmem:s2+$0x6800] =	vst v0  }
0x17: {  	[tilespmem:s2+$0x6810] =	vst v0  }
.Ltmp0:
0x18: {  	[tilespmem:s2+$0x6820] =	vst v0;
	(pc) =	sbr.rel @p0 .LBB2_2-.Ltmp0, $4  }
0x19: {  	[tilespmem:s2+$0x6830] =	vst v0  }
0x1a: {  	[tilespmem:s2+$0x6840] =	vst v0  }
0x1b: {  	[tilespmem:s2+$0x6850] =	vst v0  }
0x1c: {  	[tilespmem:s2+$0x6860] =	vst v0;
	s2 =	sshra.s32 s26, $0x2;
	s26 =	sadd.s32 $0x200, s26  }
0x1d: {  	[tilespmem:s2+$0x6870] =	vst v0  }
0x1e: {  	[tilespmem:s2+$0x6800] =	vst v0  }
0x1f: {  	[tilespmem:s2+$0x6810] =	vst v0  }
0x20: {  	[tilespmem:s2+$0x6820] =	vst v0  }
0x21: {  	[tilespmem:s2+$0x6830] =	vst v0  }
0x22: {  	[tilespmem:s2+$0x6840] =	vst v0  }
0x23: {  	[tilespmem:s2+$0x6850] =	vst v0  }
0x24: {  	[tilespmem:s2+$0x6860] =	vst v0;
	s31 =	simm.s32 $0x80;
	s26 =	simm.s32 $0x400  }
0x25: {  	[tilespmem:s3], [sflag:$0x5] =	stream.strided.gather [hbm4b:s5+s31], $0x2800, s26, s31, $0x38;
	[tilespmem:$0x1F800] =	vst v63  }
0x26: {  	_ =	swait.ge [sflag:s19], $0x2800  }
0x27: {  	[sflag:s19] =	ssyncset.done $0x0  }
0x28: {  	[sflag:s19] =	ssyncadd.s32 $0xFFFFD800  }
0x29: {  	[tilespmem:s20], [sflag:$0x5] =	stream.linear.gather [hbm4b:s7+s3], $0x4000, $0x38;
	[tilespmem:$0x1F800] =	vst v63  }
0x2a: {  	_ =	swait.ge [sflag:s19], $0x4000  }
0x2b: {  	[sflag:s19] =	ssyncset.done $0x0  }
0x2c: {  	[sflag:s19] =	ssyncadd.s32 $0xFFFFC000  }
0x2d: {  	[spmem:s6] =	stream.linear.scatter [tilespmem:s21], [sflag:$0x5], $0x2800, $0x38;
	[tilespmem:$0x1F800] =	vst v63  }
0x2e: {  	_ =	swait.ge [sflag:s19], $0x2800  }
0x2f: {  	[sflag:s19] =	ssyncset.done $0x0  }
0x30: {  	[sflag:s19] =	ssyncadd.s32 $0xFFFFD800  }
0x31: {  	[spmem:s8] =	stream.linear.scatter [tilespmem:s21], [sflag:$0x5], $0x2800, $0x38;
	[tilespmem:$0x1F800] =	vst v63  }
0x32: {  	_ =	swait.ge [sflag:s19], $0x2800  }
0x33: {  	[sflag:s19] =	ssyncset.done $0x0  }
0x34: {  	[sflag:s19] =	ssyncadd.s32 $0xFFFFD800  }
0x35: {  	[spmem:s9] =	stream.linear.scatter [tilespmem:s21], [sflag:$0x5], $0x2800, $0x38;
	[tilespmem:$0x1F800] =	vst v63  }
0x36: {  	_ =	swait.ge [sflag:s19], $0x2800  }
0x37: {  	[sflag:s19] =	ssyncset.done $0x0  }
0x38: {  	[sflag:s19] =	ssyncadd.s32 $0xFFFFD800  }
0x39: {  	[spmem:s10] =	stream.linear.scatter [tilespmem:s21], [sflag:$0x5], $0x2800, $0x38;
	[tilespmem:$0x1F800] =	vst v63  }
0x3a: {  	_ =	swait.ge [sflag:s19], $0x2800  }
0x3b: {  	[sflag:s19] =	ssyncset.done $0x0  }
0x3c: {  	[sflag:s19] =	ssyncadd.s32 $0xFFFFD800  }
0x3d: {  	[spmem:s11] =	stream.linear.scatter [tilespmem:s21], [sflag:$0x5], $0x2800, $0x38;
	[tilespmem:$0x1F800] =	vst v63  }
0x3e: {  	_ =	swait.ge [sflag:s19], $0x2800  }
0x3f: {  	[sflag:s19] =	ssyncset.done $0x0  }
0x40: {  	[sflag:s19] =	ssyncadd.s32 $0xFFFFD800  }
0x41: {  	[spmem:s12] =	stream.linear.scatter [tilespmem:s21], [sflag:$0x5], $0x2800, $0x38;
	[tilespmem:$0x1F800] =	vst v63  }
0x42: {  	_ =	swait.ge [sflag:s19], $0x2800  }
0x43: {  	[sflag:s19] =	ssyncset.done $0x0  }
0x44: {  	[sflag:s19] =	ssyncadd.s32 $0xFFFFD800  }
0x45: {  	[spmem:s13] =	stream.linear.scatter [tilespmem:s21], [sflag:$0x5], $0x2800, $0x38;
	[tilespmem:$0x1F800] =	vst v63  }
0x46: {  	_ =	swait.ge [sflag:s19], $0x2800  }
0x47: {  	[sflag:s19] =	ssyncset.done $0x0  }
0x48: {  	[sflag:s19] =	ssyncadd.s32 $0xFFFFD800  }
0x49: {  	[spmem:s14] =	stream.linear.scatter [tilespmem:s21], [sflag:$0x5], $0x2800, $0x38;
	[tilespmem:$0x1F800] =	vst v63  }
0x4a: {  	_ =	swait.ge [sflag:s19], $0x2800  }
0x4b: {  	[sflag:s19] =	ssyncset.done $0x0  }
0x4c: {  	[sflag:s19] =	ssyncadd.s32 $0xFFFFD800  }
0x4d: {  	[bflag:$0x0] =	sbarrier.arrive $0xFFFF  }
0x4e: {  	[tilespmem:s21], [sflag:$0x1] =	stream.indirect.gather [hbm4b:s4+s22], $0x80, s3, s22, $0xb8;
	[tilespmem:$0x1F800] =	vst v63  }
0x4f: {  	_ = 	snop  }
0x50: {  	[tilespmem:s23], [sflag:$0x2] =	stream.indirect.gather [hbm4b:s4+s22], $0x80, s22, s22, $0xb8;
	[tilespmem:$0x1F800] =	vst v63  }
0x51: {  	_ =	swait.ge [sflag:s24], $0x2800  }
0x52: {  	[sflag:s24] =	ssyncset.done $0x0  }
0x53: {  	[sflag:s24] =	ssyncadd.s32 $0xFFFFD800  }
0x54: {  	[spmem:s1] =	stream.indirect.scatter.add.f32 [tilespmem:s21], [sflag:$0x3], $0x80, s20, s22, $0xb8;
	[tilespmem:$0x1F800] =	vst v63  }
0x55: {  	_ =	swait.ge [sflag:s25], $0x2800  }
0x56: {  	[sflag:s25] =	ssyncset.done $0x0  }
0x57: {  	s31 =	simm.s32 $0xA0;
	[sflag:s25] =	ssyncadd.s32 $0xFFFFD800  }
0x58: {  	[tilespmem:s21], [sflag:$0x1] =	stream.indirect.gather [hbm4b:s4+s22], $0x80, s31, s22, $0xb8;
	[tilespmem:$0x1F800] =	vst v63  }
0x59: {  	_ =	swait.ge [sflag:s28], $0x2800  }
0x5a: {  	[sflag:s28] =	ssyncset.done $0x0  }
0x5b: {  	s26 =	simm.s32 $0x2880;
	[sflag:s28] =	ssyncadd.s32 $0xFFFFD800  }
0x5c: {  	[spmem:s1] =	stream.indirect.scatter.add.f32 [tilespmem:s23], [sflag:$0x4], $0x80, s26, s22, $0xb8;
	[tilespmem:$0x1F800] =	vst v63  }
0x5d: {  	_ =	swait.ge [sflag:s30], $0x2800  }
0x5e: {  	[sflag:s30] =	ssyncset.done $0x0  }
0x5f: {  	s31 =	simm.s32 $0xF0;
	[sflag:s30] =	ssyncadd.s32 $0xFFFFD800  }
0x60: {  	[tilespmem:s23], [sflag:$0x2] =	stream.indirect.gather [hbm4b:s4+s22], $0x80, s31, s22, $0xb8;
	[tilespmem:$0x1F800] =	vst v63  }
0x61: {  	_ =	swait.ge [sflag:s24], $0x2800  }
0x62: {  	[sflag:s24] =	ssyncset.done $0x0  }
0x63: {  	s26 =	simm.s32 $0x2900;
	[sflag:s24] =	ssyncadd.s32 $0xFFFFD800  }
0x64: {  	[spmem:s1] =	stream.indirect.scatter.add.f32 [tilespmem:s21], [sflag:$0x3], $0x80, s26, s22, $0xb8;
	[tilespmem:$0x1F800] =	vst v63  }
0x65: {  	_ =	swait.ge [sflag:s25], $0x2800  }
0x66: {  	[sflag:s25] =	ssyncset.done $0x0  }
0x67: {  	s31 =	simm.s32 $0x140;
	[sflag:s25] =	ssyncadd.s32 $0xFFFFD800  }
0x68: {  	[tilespmem:s21], [sflag:$0x1] =	stream.indirect.gather [hbm4b:s4+s22], $0x80, s31, s22, $0xb8;
	[tilespmem:$0x1F800] =	vst v63  }
0x69: {  	_ =	swait.ge [sflag:s28], $0x2800  }
0x6a: {  	s2 =	simm.s32 $0xFFFF0C00;
	[sflag:s28] =	ssyncset.done $0x0  }
0x6b: {  	s29 =	simm.s32 $0x2980;
	s26 =	simm.s32 $0x1E0;
	[sflag:s28] =	ssyncadd.s32 $0xFFFFD800  }
.LBB2_4:
0x6c: {  	[spmem:s1] =	stream.indirect.scatter.add.f32 [tilespmem:s23], [sflag:$0x4], $0x80, s29, s22, $0xb8;
	[tilespmem:$0x1F800] =	vst v63  }
0x6d: {  	s29 =	smov.u32 s2  }
0x6e: {  	p0 =	sne.s32 s2, $0xFFFFFC00;
	s2 =	sadd.s32 $0x400, s2;
	_ =	swait.ge [sflag:s30], $0x2800  }
0x6f: {  	[sflag:s30] =	ssyncset.done $0x0  }
0x70: {  	s31 =	sadd.s32 $0xFFFFFFB0, s26;
	[sflag:s30] =	ssyncadd.s32 $0xFFFFD800  }
0x71: {  	[tilespmem:s23], [sflag:$0x2] =	stream.indirect.gather [hbm4b:s4+s22], $0x80, s31, s22, $0xb8;
	[tilespmem:$0x1F800] =	vst v63  }
0x72: {  	_ =	swait.ge [sflag:s24], $0x2800  }
0x73: {  	s29 =	sshra.s32 s29, $0x2;
	[sflag:s24] =	ssyncset.done $0x0  }
0x74: {  	s31 =	sadd.s32 $0x6700, s29;
	[sflag:s24] =	ssyncadd.s32 $0xFFFFD800  }
0x75: {  	[spmem:s1] =	stream.indirect.scatter.add.f32 [tilespmem:s21], [sflag:$0x3], $0x80, s31, s22, $0xb8;
	[tilespmem:$0x1F800] =	vst v63  }
0x76: {  	_ =	swait.ge [sflag:s25], $0x2800  }
0x77: {  	[sflag:s25] =	ssyncset.done $0x0  }
.Ltmp1:
0x78: {  	[sflag:s25] =	ssyncadd.s32 $0xFFFFD800;
	(pc) =	sbr.rel @p0 .LBB2_4-.Ltmp1, $4  }
0x79: {  	[tilespmem:s21], [sflag:$0x1] =	stream.indirect.gather [hbm4b:s4+s22], $0x80, s26, s22, $0xb8;
	[tilespmem:$0x1F800] =	vst v63  }
0x7a: {  	_ =	swait.ge [sflag:s28], $0x2800  }
0x7b: {  	[sflag:s28] =	ssyncset.done $0x0  }
0x7c: {  	s29 =	sadd.s32 $0x6780, s29;
	s26 =	sadd.s32 $0xA0, s26;
	[sflag:s28] =	ssyncadd.s32 $0xFFFFD800  }
0x7d: {  	[spmem:s1] =	stream.indirect.scatter.add.f32 [tilespmem:s23], [sflag:$0x4], $0x80, s29, s22, $0xb8;
	[tilespmem:$0x1F800] =	vst v63  }
0x7e: {  	_ =	swait.ge [sflag:s30], $0x2800  }
0x7f: {  	[sflag:s30] =	ssyncset.done $0x0  }
0x80: {  	s2 =	simm.s32 $0x27B0;
	[sflag:s30] =	ssyncadd.s32 $0xFFFFD800  }
0x81: {  	[tilespmem:s23], [sflag:$0x2] =	stream.indirect.gather [hbm4b:s4+s22], $0x80, s2, s22, $0xb8;
	[tilespmem:$0x1F800] =	vst v63  }
0x82: {  	_ =	swait.ge [sflag:s24], $0x2800  }
0x83: {  	[sflag:s24] =	ssyncset.done $0x0  }
0x84: {  	[sflag:s24] =	ssyncadd.s32 $0xFFFFD800  }
0x85: {  	[spmem:s1] =	stream.indirect.scatter.add.f32 [tilespmem:s21], [sflag:$0x3], $0x80, s0, s22, $0xb8;
	[tilespmem:$0x1F800] =	vst v63  }
0x86: {  	_ =	swait.ge [sflag:s28], $0x2800  }
0x87: {  	[sflag:s28] =	ssyncset.done $0x0  }
0x88: {  	[sflag:s28] =	ssyncadd.s32 $0xFFFFD800  }
0x89: {  	[spmem:s1] =	stream.indirect.scatter.add.f32 [tilespmem:s23], [sflag:$0x4], $0x80, s17, s22, $0xb8;
	[tilespmem:$0x1F800] =	vst v63  }
0x8a: {  	_ =	swait.ge [sflag:s25], $0x2800  }
0x8b: {  	[sflag:s25] =	ssyncset.done $0x0  }
0x8c: {  	[sflag:s25] =	ssyncadd.s32 $0xFFFFD800  }
0x8d: {  	s31 =	stileid.u32;
	_ =	swait.ge [sflag:s30], $0x2800  }
0x8e: {  	s26 =	sshrl.u32 s6, $0x3;
	s18 =	sadd.s32 $0x1, s18;
	[sflag:s30] =	ssyncset.done $0x0  }
0x8f: {  	p0 =	sne.s32 s18, s16;
	s2 =	sshll.u32 s31, $0x6;
	[sflag:s30] =	ssyncadd.s32 $0xFFFFD800  }
.Ltmp2:
0x90: {  	s2 =	sor.u32 $0x1C05, s2;
	[bflag:$0x0] =	sbarrier.arrive $0xFFFF;
	(pc) =	sbr.rel @p0 .LBB2_1-.Ltmp2, $4  }
0x91: {  	[hbm:s15], [sflag:s2] =	dma.local [spmem:s26], $0x2800  }
0x92: {  	_ =	swait.ge [sflag:s19], $0x2800  }
0x93: {  	[sflag:s19] =	ssyncset.done $0x0  }
0x94: {  	[sflag:s19] =	ssyncadd.s32 $0xFFFFD800  }
0x95: {  	_ =	sfence.sel $0x180000  }
0x96: {  	[bflag:$0x0] =	sbarrier.arrive $0xFFFF  }
0x97: {  	_ =	strace $0x9000004A  }
0x98: {  	s0 =	stileid.u32;
	[bflag:$0x2] =	sbarrier.arrive $0xFFFF  }
0x99: {  	p0 =	sne.s32 s0, $0x0;
	s0 =	rddreg [dreg:$0x3]  }
0x9a: {  	s0 =	sadd.s32 @!p0 $0x100000, s0  }
0x9b: {  	[sflag:s0] =	ssyncadd.tile.s32 @!p0 $0x1;
	_ =	shalt  }
.Lfunc_end2:
_tile_overlayer_lowered:
.L_overlay_start_2:
0x9c: {  	(tag) =	ssettag $0x2  }
0x9d: {  	s0 =	rddreg [dreg:$0x0];
	s2 =	stileid.u32  }
0x9e: {  	s1 =	rddreg [dreg:$0x1];
	p0 =	sne.s32 s2, $0x0  }
0x9f: {  	s3 =	rddreg [dreg:$0x2];
	[bflag:$0x3] =	sbarrier.arrive $0xFFFF;
	s2 =	simm.s32 @!p0 $0x1C05  }
0xa0: {  	[timem:s3], [sflag:s2] =	dma.local @!p0 [hbm:s0], s1  }
0xa1: {  	s0 =	simm.s32 @!p0 $0x5  }
0xa2: {  	_ =	swait.ge @!p0 [sflag:s0], s1  }
0xa3: {  	s1 =	ssub.s32 @!p0 $0x0, s1;
	[sflag:s0] =	ssyncset.done @!p0 $0x0  }
0xa4: {  	[sflag:s0] =	ssyncadd.s32 @!p0 s1  }
0xa5: {  	[bflag:$0x3] =	sbarrier.arrive $0xFFFF  }
0xa6: {  	_ =	shalt  }

// kernel: kernel.3.cloned.1.call-start
scs
__scs_entry_jumppad:
0x0: {  	(pc) =	sbr.rel $0x88, $3  }
0x1: {  	(tag) =	ssettag $0x0;
	lr =	simm.s32 $0x1  }
0x2: {  	[smem:$0x3F99] =	sst lr;
	_ =	strace $0xD0000000  }
0x3: {  	_ = 	snop  }
0x4: {  	_ = 	snop  }
0x5: {  	_ = 	snop  }
0x6: {  	_ = 	snop  }
0x7: {  	_ = 	snop  }
__scs_overlays_trampoline_lowered:
0x8: {  	[smem:$0x3FA8] =	sst s0  }
0x9: {  	[smem:$0x3FA9] =	sst s1  }
0xa: {  	[smem:$0x3FAA] =	sst s2  }
0xb: {  	[smem:$0x3FAB] =	sst s3  }
0xc: {  	[smem:$0x3FAC] =	sst s4  }
0xd: {  	[smem:$0x3FAD] =	sst s5  }
0xe: {  	[smem:$0x3FAE] =	sst s6  }
0xf: {  	[smem:$0x3FAF] =	sst s7  }
0x10: {  	[smem:$0x3FB0] =	sst s8  }
0x11: {  	[smem:$0x3FB1] =	sst s9;
	s0 =	simm.s32 @!p0 $0x0  }
0x12: {  	s1 =	sld [smem:$0x3F97];
	s0 =	simm.s32 @p0 $0x1  }
0x13: {  	[smem:$0x3FB2] =	sst s0;
	s0 =	simm.s32 @!p1 $0x0  }
0x14: {  	s2 =	sld [smem:$0x3F96];
	s0 =	simm.s32 @p1 $0x1  }
0x15: {  	[smem:$0x3FB3] =	sst s0;
	s0 =	simm.s32 @!p2 $0x0  }
0x16: {  	s3 =	sld [smem:$0x3FDB];
	s0 =	simm.s32 @p2 $0x1  }
0x17: {  	s4 =	simm.s32 $0x1BF5;
	[smem:$0x3FB5] =	sst s0  }
0x18: {  	s0 =	sld [smem:$0x3F98];
	_ =	swait.ge [sflag:s4], $0x0  }
0x19: {  	s7 =	sld [smem:$0x3F99]  }
0x1a: {  	s8 =	sadd.s32 $0xFFFFE003, lr  }
0x1b: {  	s9 =	sadd.s32 $0xFFFFFEF7, lr;
	s5 =	simm.s32 $0xFFFFFFFF;
	p2 =	slt.u32 s8, $0xFFFFF086  }
0x1c: {  	p1 =	slt.u32 s9, $0xF7A;
	s5 =	simm.s32 @!p2 $0x0  }
0x1d: {  	s5 =	simm.s32 @p1 $0x1;
	p0 =	seq.s32 s7, s2  }
0x1e: {  	s7 =	smul.u32 @!p0 $0xF7A, s2;
	p2 =	seq.s32 @!p0 s5, $0x0  }
0x1f: {  	s9 =	smul.u32 $0xF7A, s1;
	s8 =	simm.s32 @!p0 $0x1BF5;
	p2 =	por !p2, p0  }
0x20: {  	[sflag:s8] =	ssyncset.s32 @!p0 $0xFFFFF086;
	s6 =	sadd.s32 @!p0 s3, s7;
	s7 =	simm.s32 @!p0 $0x108  }
0x21: {  	s3 =	sadd.s32 s3, s9;
	s6 =	sadd.s32 @!p0 $0x88, s6;
	s7 =	simm.s32 @p2 $0x1082  }
0x22: {  	[simem:s7], [sflag:s8] =	dma.local @!p0 [hbm:s6], $0xF7A  }
0x23: {  	s9 =	sor.u32 $0xD0000000, s2;
	s6 =	simm.s32 $0x108;
	_ =	swait.ge @!p0 [sflag:s8], $0x0  }
0x24: {  	s3 =	sadd.s32 $0x88, s3;
	s6 =	simm.s32 @!p1 $0x1082;
	[sflag:s4] =	ssyncset.s32 $0xFFFFF086  }
0x25: {  	[simem:s6], [sflag:s4] =	dma.local [hbm:s3], $0xF7A  }
0x26: {  	[smem:$0x3F99] =	sst s1;
	(tag) =	ssettag s2;
	_ =	strace s9  }
0x27: {  	s1 =	sld [smem:$0x3FA9]  }
0x28: {  	s2 =	sld [smem:$0x3FAA]  }
0x29: {  	s4 =	sld [smem:$0x3FAC]  }
0x2a: {  	p0 =	seq.s32 s5, $0x0;
	s5 =	sld [smem:$0x3FAD]  }
0x2b: {  	s6 =	sld [smem:$0x3FAE]  }
0x2c: {  	s7 =	sld [smem:$0x3FAF]  }
0x2d: {  	s3 =	simm.s32 $0x108;
	s8 =	sld [smem:$0x3FB0]  }
0x2e: {  	s3 =	simm.s32 @!p0 $0x1082;
	s9 =	sld [smem:$0x3FB1]  }
0x2f: {  	lr =	sadd.s32 s0, s3;
	s0 =	sld [smem:$0x3FA8]  }
0x30: {  	s3 =	sld [smem:$0x3FAB]  }
0x31: {  	[smem:$0x3FB4] =	sst s10  }
0x32: {  	s10 =	sld [smem:$0x3FB2];
	_ =	sdelay $0x3  }
0x33: {  	p0 =	seq.s32 s10, $0x1;
	s10 =	sld [smem:$0x3FB4];
	_ =	sdelay $0x3  }
0x34: {  	[smem:$0x3FB4] =	sst s10  }
0x35: {  	s10 =	sld [smem:$0x3FB3];
	_ =	sdelay $0x3  }
0x36: {  	p1 =	seq.s32 s10, $0x1;
	s10 =	sld [smem:$0x3FB4];
	_ =	sdelay $0x3  }
0x37: {  	[smem:$0x3FB4] =	sst s10  }
0x38: {  	s10 =	sld [smem:$0x3FB5]  }
0x39: {  	_ = 	snop;
	(pc) =	sbr.ind lr, $3  }
0x3a: {  	_ = 	snop  }
0x3b: {  	_ = 	snop  }
0x3c: {  	p2 =	seq.s32 s10, $0x1;
	s10 =	sld [smem:$0x3FB4]  }
0x3d: {  	_ =	shalt  }
0x3e: {  	_ =	shalt  }
0x3f: {  	_ =	shalt  }
0x40: {  	_ =	shalt  }
0x41: {  	_ =	shalt  }
0x42: {  	_ =	shalt  }
0x43: {  	_ =	shalt  }
0x44: {  	_ =	shalt  }
0x45: {  	_ =	shalt  }
0x46: {  	_ =	shalt  }
0x47: {  	_ =	shalt  }
0x48: {  	_ =	shalt  }
0x49: {  	_ =	shalt  }
0x4a: {  	_ =	shalt  }
0x4b: {  	_ =	shalt  }
0x4c: {  	_ =	shalt  }
0x4d: {  	_ =	shalt  }
0x4e: {  	_ =	shalt  }
0x4f: {  	_ =	shalt  }
0x50: {  	_ =	shalt  }
0x51: {  	_ =	shalt  }
0x52: {  	_ =	shalt  }
0x53: {  	_ =	shalt  }
0x54: {  	_ =	shalt  }
0x55: {  	_ =	shalt  }
0x56: {  	_ =	shalt  }
0x57: {  	_ =	shalt  }
0x58: {  	_ =	shalt  }
0x59: {  	_ =	shalt  }
0x5a: {  	_ =	shalt  }
0x5b: {  	_ =	shalt  }
0x5c: {  	_ =	shalt  }
0x5d: {  	_ =	shalt  }
0x5e: {  	_ =	shalt  }
0x5f: {  	_ =	shalt  }
0x60: {  	_ =	shalt  }
0x61: {  	_ =	shalt  }
0x62: {  	_ =	shalt  }
0x63: {  	_ =	shalt  }
0x64: {  	_ =	shalt  }
0x65: {  	_ =	shalt  }
0x66: {  	_ =	shalt  }
0x67: {  	_ =	shalt  }
0x68: {  	_ =	shalt  }
0x69: {  	_ =	shalt  }
0x6a: {  	_ =	shalt  }
0x6b: {  	_ =	shalt  }
0x6c: {  	_ =	shalt  }
0x6d: {  	_ =	shalt  }
0x6e: {  	_ =	shalt  }
0x6f: {  	_ =	shalt  }
0x70: {  	_ =	shalt  }
0x71: {  	_ =	shalt  }
0x72: {  	_ =	shalt  }
0x73: {  	_ =	shalt  }
0x74: {  	_ =	shalt  }
0x75: {  	_ =	shalt  }
0x76: {  	_ =	shalt  }
0x77: {  	_ =	shalt  }
0x78: {  	_ =	shalt  }
0x79: {  	_ =	shalt  }
0x7a: {  	_ =	shalt  }
0x7b: {  	_ =	shalt  }
0x7c: {  	_ =	shalt  }
0x7d: {  	_ =	shalt  }
0x7e: {  	_ =	shalt  }
0x7f: {  	_ =	shalt  }
0x80: {  	_ =	shalt  }
0x81: {  	_ =	shalt  }
0x82: {  	_ =	shalt  }
0x83: {  	_ =	shalt  }
0x84: {  	_ =	shalt  }
0x85: {  	_ =	shalt  }
0x86: {  	_ =	shalt  }
0x87: {  	_ =	shalt  }
.Lfunc_end0:
.L_simem_size_0:
called_computation.1_lowered:
.L_overlay_start_0:
0x88: {  	s2 =	sld [smem:$0x3FD9]  }
0x89: {  	s3 =	sld [smem:$0x3FFE];
	_ =	sdelay $0x1  }
0x8a: {  	s1 =	srdreg.scid  }
0x8b: {  	s0 =	sand.u32 $0x1, s1  }
0x8c: {  	s17 =	sshll.u32 s0, $0xA;
	s2 =	sadd.s32 s3, s2  }
0x8d: {  	s2 =	sadd.s32 s2, s17  }
0x8e: {  	[smem:$0x3FC0] =	sst s2  }
0x8f: {  	_ = 	snop  }
0x90: {  	s2 =	sld [smem:$0x3FD0];
	(tm) =	ssettm $0x1  }
0x91: {  	s18 =	sld [smem:$0x3FFB];
	_ =	sdelay $0x3  }
0x92: {  	_ =	strace s18  }
0x93: {  	s3 =	sld [smem:$0x3FFC];
	_ =	sdelay $0x3  }
0x94: {  	_ =	strace s3  }
0x95: {  	s3 =	sld [smem:$0x3FFD];
	_ =	sdelay $0x3  }
0x96: {  	_ =	strace s3  }
0x97: {  	_ =	strace $0x8FFFFFFF  }
0x98: {  	s19 =	sld [smem:$0x3FDB];
	_ =	sdelay $0x1  }
0x99: {  	s4 =	simm.s32 $_scs_section_size  }
0x9a: {  	s5 =	simm.s32 $_size__tile_overlayer_lowered;
	s6 =	simm.s32 $_tile_overlayer_lowered  }
0x9b: {  	s22 =	simm.s32 $0x1BFF;
	s21 =	sshll.u32 s6, $0x1;
	s3 =	sadd.s32 s4, s19  }
0x9c: {  	s7 =	simm.s32 $0x0;
	s20 =	sshll.u32 s5, $0x1;
	s5 =	sadd.s32 s21, s3  }
0x9d: {  	[timem:s7], [sflag:s22] =	dma.local [hbm:s5], s20  }
0x9e: {  	_ =	swait.ge [sflag:s22], s20  }
0x9f: {  	s4 =	ssub.s32 $0x0, s20;
	[sflag:s22] =	ssyncset.done $0x0  }
0xa0: {  	[sflag:s22] =	ssyncadd.s32 s4;
	_ =	sdelay $0x1  }
0xa1: {  	s23 =	simm.s32 $0x1B8B  }
0xa2: {  	_ =	swait.ge [sflag:s23], $0x1  }
0xa3: {  	[sflag:s23] =	ssyncset.done $0x0  }
0xa4: {  	s25 =	simm.s32 $0x1B8E;
	s24 =	sld [smem:$0x3FFE];
	[sflag:s23] =	ssyncadd.s32 $0xFFFFFFFF  }
0xa5: {  	s26 =	simm.s32 $execute0_lowered;
	[smem:$0x3FD2] =	sst s25  }
0xa6: {  	s5 =	sshll.u32 s26, $0x1;
	_ =	strace $0x80000046;
	[dreg:$0x1] =	wrdreg $0xFFFFFFFF  }
0xa7: {  	s28 =	simm.s32 $_size_execute0_lowered;
	s3 =	sadd.s32 s3, s5;
	[dreg:$0x0] =	wrdreg $0x0  }
0xa8: {  	s5 =	sshll.u32 s28, $0x1;
	[dreg:$0x2] =	wrdreg s3  }
0xa9: {  	[dreg:$0x3] =	wrdreg s5  }
0xaa: {  	[dreg:$0x4] =	wrdreg $0xC0  }
0xab: {  	_ =	task [dreg:s7], $0x5FFFF  }
0xac: {  	[dreg:$0x1] =	wrdreg $0xFFFFFFFF  }
0xad: {  	[dreg:$0x0] =	wrdreg $0x60  }
0xae: {  	[dreg:$0x2] =	wrdreg s2  }
0xaf: {  	[dreg:$0x3] =	wrdreg s24  }
0xb0: {  	[dreg:$0x4] =	wrdreg $0x52000  }
0xb1: {  	[dreg:$0x5] =	wrdreg $0x7A000  }
0xb2: {  	[dreg:$0x6] =	wrdreg $0x9  }
0xb3: {  	_ =	task.clear_ibuf [dreg:s7], $0x7FFFF;
	_ =	strace $0x90000046  }
0xb4: {  	s29 =	simm.s32 $0x9;
	_ =	strace $0x80000048  }
0xb5: {  	_ =	swait.ge [sflag:s29], $0x1  }
0xb6: {  	[sflag:s29] =	ssyncadd.s32 $0xFFFFFFFF  }
0xb7: {  	_ =	strace $0x90000048  }
0xb8: {  	_ =	sfence  }
0xb9: {  	s30 =	sld [smem:$0x0];
	_ =	sdelay $0x2  }
0xba: {  	s31 =	sshll.u32 s1, $0xD;
	s1 =	sshrl.u32 s1, $0x2  }
0xbb: {  	s3 =	sand.u32 $0x4000, s31;
	s1 =	sadd.s32 s1, s30  }
0xbc: {  	s0 =	sor.u32 s3, s0;
	s1 =	sshll.u32 s1, $0x11  }
0xbd: {  	s0 =	sor.u32 s1, s0  }
0xbe: {  	s0 =	sadd.s32 $0x8F2B, s0  }
0xbf: {  	[sflag:s0] =	ssyncadd.remote.s32 $0x1  }
0xc0: {  	_ =	sfence.sel $0xFFFF  }
0xc1: {  	[dreg:$0x0] =	wrdreg $0xFFFFFFFF;
	(pc) =	sbr.abs _section_cstart, $3  }
0xc2: {  	[dreg:$0x1] =	wrdreg $0xFFFFFFFF  }
0xc3: {  	_ =	task.clear_ibuf [dreg:s7], $0x2FFFF;
	_ =	strace $0x9FFFFFFF  }
0xc4: {  	(tm) =	ssettm $0x7FFFFFFF  }
0xc5: {  	_ =	shalt  }
tec
execute0_lowered:
.L_overlay_start_1:
0x0: {  	(tag) =	ssettag $0x1  }
0x1: {  	s9 =	rddreg [dreg:$0x0]  }
0x2: {  	s5 =	rddreg [dreg:$0x1]  }
0x3: {  	s0 =	rddreg [dreg:$0x2];
	s1 =	srdreg.scid  }
0x4: {  	s10 =	stileid.u32;
	s2 =	rddreg [dreg:$0x3]  }
0x5: {  	s3 =	simm.s32 $0x0;
	s13 =	simm.s32 $0x50;
	s14 =	simm.s32 $0x1  }
0x6: {  	s15 =	simm.s32 $0x100;
	s16 =	simm.s32 $0x80;
	s17 =	simm.s32 $0x2A00  }
0x7: {  	s18 =	simm.s32 $0x180;
	s19 =	simm.s32 $0x2;
	s6 =	smul.u32 $0x500, s10  }
0x8: {  	s20 =	simm.s32 $0x3;
	s21 =	simm.s32 $0x0;
	s8 =	smul.u32 $0xA000, s10  }
0x9: {  	s4 =	sand.u32 $0x1, s1;
	s1 =	rddreg [dreg:$0x4];
	s12 =	smul.u32 $0x1400, s10  }
0xa: {  	[smem:$0x7FF] =	sst s3;
	p0 =	sne.s32 s10, $0x0;
	s7 =	smul.u32 $0x5000, s4  }
0xb: {  	s10 =	simm.s32 $0x200;
	s11 =	smul.u32 $0x14000, s4;
	s28 =	ssub.s32 $0x2, s4  }
0xc: {  	_ =	strace $0x80000047;
	s4 =	sadd.s32 $0x3000, s5;
	s29 =	sshrl.u32 s28, $0x1  }
0xd: {  	s30 =	sshrl.u32 s8, $0x2;
	s6 =	sadd.s32 s6, s7;
	s31 =	sadd.s32 s12, s11  }
0xe: {  	s7 =	ssub.s32 s28, s29;
	s6 =	sadd.s32 s6, s5;
	s11 =	sor.u32 $0x50, s31  }
0xf: {  	s5 =	sadd.s32 s30, s0;
	s7 =	smax.u32 s7, $0x1;
	s11 =	sshrl.u32 s11, $0x3  }
0x10: {  	s12 =	sshrl.u32 s31, $0x3;
	s6 =	sadd.s32 $0x3200, s6;
	s8 =	sadd.s32 s11, s9  }
0x11: {  	v0 =	vimm.f32 $0.0e+00;
	s9 =	sadd.s32 s12, s9;
	s11 =	simm.s32 $0x4;
	s12 =	sshrl.u32 @!p0 s2, $0x3  }
.LBB2_1:
0x12: {  	s22 =	simm.s32 $0x0;
	s23 =	simm.s32 $0x200  }
.LBB2_2:
0x13: {  	p1 =	sne.s32 s23, $0x9E00;
	[tilespmem:s22+$0x270] =	vst v0  }
0x14: {  	[tilespmem:s22+$0x200] =	vst v0  }
0x15: {  	[tilespmem:s22+$0x210] =	vst v0  }
.Ltmp0:
0x16: {  	[tilespmem:s22+$0x220] =	vst v0;
	(pc) =	sbr.rel @p1 .LBB2_2-.Ltmp0, $4  }
0x17: {  	[tilespmem:s22+$0x230] =	vst v0  }
0x18: {  	[tilespmem:s22+$0x240] =	vst v0  }
0x19: {  	[tilespmem:s22+$0x250] =	vst v0  }
0x1a: {  	[tilespmem:s22+$0x260] =	vst v0;
	s22 =	sshra.s32 s23, $0x2;
	s23 =	sadd.s32 $0x200, s23  }
0x1b: {  	[tilespmem:s22+$0x270] =	vst v0  }
0x1c: {  	[tilespmem:s22+$0x200] =	vst v0  }
0x1d: {  	[tilespmem:s22+$0x210] =	vst v0  }
0x1e: {  	[tilespmem:s22+$0x220] =	vst v0  }
0x1f: {  	[tilespmem:s22+$0x230] =	vst v0  }
0x20: {  	[tilespmem:s22+$0x240] =	vst v0  }
0x21: {  	[tilespmem:s22+$0x250] =	vst v0  }
0x22: {  	[tilespmem:s22+$0x260] =	vst v0  }
0x23: {  	[spmem:s5] =	stream.linear.scatter [tilespmem:s10], [sflag:$0x4], $0x2800, $0x38;
	[tilespmem:$0x7A40] =	vst v63  }
0x24: {  	_ =	swait.ge [sflag:s11], $0x2800  }
0x25: {  	[sflag:s11] =	ssyncset.done $0x0  }
0x26: {  	s22 =	simm.s32 @!p0 $0x1C04;
	[sflag:s11] =	ssyncadd.s32 $0xFFFFD800  }
0x27: {  	[spmem:s12], [sflag:s22] =	dma.local @!p0 [hbm:s4], $0x80  }
0x28: {  	s22 =	simm.s32 @!p0 $0x4  }
0x29: {  	_ =	swait.ge @!p0 [sflag:s22], $0x80  }
0x2a: {  	[sflag:s22] =	ssyncset.done @!p0 $0x0  }
0x2b: {  	p1 =	por $0x1, $0x1;
	[sflag:s22] =	ssyncadd.s32 @!p0 $0xFFFFFF80  }
0x2c: {  	s22 =	simm.s32 @!p1 $0x2;
	[bflag:$0x0] =	sbarrier.arrive $0xFFFF  }
0x2d: {  	_ =	swait.ge @!p1 [sflag:s22], $0x2800  }
0x2e: {  	[sflag:s22] =	ssyncset.done @!p1 $0x0  }
0x2f: {  	s30 =	sadd.s32 $0x0, s9;
	[sflag:s22] =	ssyncadd.s32 @!p1 $0xFFFFD800  }
0x30: {  	[tilespmem:s3], [sflag:$0x4] =	stream.linear.gather [hbm4b:s30+s3], $0x50, $0x38;
	[tilespmem:$0x7A40] =	vst v63  }
0x31: {  	_ =	swait.ge [sflag:s11], $0x50  }
0x32: {  	[sflag:s11] =	ssyncset.done $0x0  }
0x33: {  	[sflag:s11] =	ssyncadd.s32 $0xFFFFFFB0  }
0x34: {  	v1 =	vld [tilespmem:$0x40];
	_ =	sdelay $0x1  }
0x35: {  	v2 =	vld [tilespmem:$0x10]  }
0x36: {  	v3 =	vld [tilespmem:$0x30]  }
0x37: {  	v4 =	vld [tilespmem:$0x0]  }
0x38: {  	v5 =	vand.u32 $0x7, v1  }
0x39: {  	v1 =	vshrl.u32 v1, $0x3;
	[tilespmem:$0x40] =	vst v5  }
0x3a: {  	v62 =	vshrl.u32 v2, $0x3;
	[tilespmem:$0x140] =	vst v1  }
0x3b: {  	v63 =	vshrl.u32 v3, $0x3;
	v1 =	vld [tilespmem:$0x20];
	[tilespmem:$0x110] =	vst v62  }
0x3c: {  	v6 =	vshrl.u32 v4, $0x3;
	[tilespmem:$0x130] =	vst v63  }
0x3d: {  	v2 =	vand.u32 $0x7, v2;
	[tilespmem:$0x100] =	vst v6  }
0x3e: {  	v4 =	vand.u32 $0x7, v4;
	[tilespmem:$0x10] =	vst v2  }
0x3f: {  	v2 =	vand.u32 $0x7, v3;
	[tilespmem:$0x0] =	vst v4  }
0x40: {  	[tilespmem:$0x30] =	vst v2;
	v3 =	vand.u32 $0x7, v1  }
0x41: {  	v1 =	vshrl.u32 v1, $0x3;
	[tilespmem:$0x20] =	vst v3  }
0x42: {  	[tilespmem:$0x120] =	vst v1  }
0x43: {  	[tilespmem:s10], [sflag:$0x1] =	stream.indirect.gather [spmem:s2], $0x80, s3, s13, $0xb8;
	[tilespmem:$0x7A40] =	vst v63  }
0x44: {  	_ =	swait.ge [sflag:s14], $0x2800  }
0x45: {  	[sflag:s14] =	ssyncset.done $0x0  }
0x46: {  	s22 =	simm.s32 @!p1 $0x3;
	[sflag:s14] =	ssyncadd.s32 $0xFFFFD800  }
0x47: {  	[spmem:s0] =	stream.indirect.scatter.add.f32 [tilespmem:s10], [sflag:$0x2], $0x80, s15, s13, $0xb8;
	[tilespmem:$0x7A40] =	vst v63  }
0x48: {  	_ =	swait.ge @!p1 [sflag:s22], $0x2800  }
0x49: {  	[sflag:s22] =	ssyncset.done @!p1 $0x0  }
0x4a: {  	s31 =	sadd.s32 $0x0, s8;
	[sflag:s22] =	ssyncadd.s32 @!p1 $0xFFFFD800  }
0x4b: {  	[tilespmem:s16], [sflag:$0x4] =	stream.linear.gather [hbm4b:s31+s3], $0x50, $0x38;
	[tilespmem:$0x7A40] =	vst v63  }
0x4c: {  	_ =	swait.ge [sflag:s11], $0x50  }
0x4d: {  	[sflag:s11] =	ssyncset.done $0x0  }
0x4e: {  	[sflag:s11] =	ssyncadd.s32 $0xFFFFFFB0  }
0x4f: {  	s22 =	simm.s32 $0x14;
	v1 =	vld [tilespmem:$0xB0]  }
.LBB2_4:
0x50: {  	v2 =	vld [tilespmem:$0x90];
	s23 =	smov.u32 s22;
	s22 =	sadd.s32 $0x14, s22  }
0x51: {  	p1 =	sne.s32 s22, $0x280;
	v3 =	vld [tilespmem:$0xA0]  }
0x52: {  	v4 =	vld [tilespmem:$0x80]  }
0x53: {  	v5 =	vld [tilespmem:$0xC0]  }
0x54: {  	v6 =	vshrl.u32 v1, $0x3;
	v1 =	vand.u32 $0x7, v1  }
0x55: {  	v7 =	vshrl.u32 v2, $0x3;
	v2 =	vand.u32 $0x7, v2;
	[tilespmem:$0x1B0] =	vst v6  }
0x56: {  	[tilespmem:$0x190] =	vst v7;
	v6 =	vshrl.u32 v3, $0x3;
	v3 =	vand.u32 $0x7, v3  }
0x57: {  	v7 =	vshrl.u32 v4, $0x3;
	v4 =	vand.u32 $0x7, v4;
	[tilespmem:$0x1A0] =	vst v6  }
0x58: {  	[tilespmem:$0x90] =	vst v2;
	v2 =	vshrl.u32 v5, $0x3;
	v5 =	vand.u32 $0x7, v5  }
0x59: {  	[tilespmem:$0x80] =	vst v4  }
0x5a: {  	[tilespmem:$0xA0] =	vst v3  }
0x5b: {  	[tilespmem:$0x180] =	vst v7  }
0x5c: {  	[tilespmem:$0x1C0] =	vst v2  }
0x5d: {  	[tilespmem:$0xB0] =	vst v1  }
0x5e: {  	[tilespmem:$0xC0] =	vst v5  }
0x5f: {  	[tilespmem:s17], [sflag:$0x1] =	stream.indirect.gather [spmem:s2], $0x80, s16, s13, $0xb8;
	[tilespmem:$0x7A40] =	vst v63  }
0x60: {  	_ =	swait.ge [sflag:s14], $0x2800  }
0x61: {  	p2 =	seq.s32 s23, $0x0;
	[sflag:s14] =	ssyncset.done $0x0  }
0x62: {  	s24 =	simm.s32 @!p2 $0x2;
	[sflag:s14] =	ssyncadd.s32 $0xFFFFD800  }
0x63: {  	[spmem:s0] =	stream.indirect.scatter.add.f32 [tilespmem:s17], [sflag:$0x3], $0x80, s18, s13, $0xb8;
	[tilespmem:$0x7A40] =	vst v63  }
0x64: {  	_ =	swait.ge @!p2 [sflag:s24], $0x2800  }
0x65: {  	[sflag:s24] =	ssyncset.done @!p2 $0x0  }
0x66: {  	[sflag:s24] =	ssyncadd.s32 @!p2 $0xFFFFD800;
	s24 =	sadd.s32 s23, s9  }
0x67: {  	[tilespmem:s3], [sflag:$0x4] =	stream.linear.gather [hbm4b:s24+s3], $0x50, $0x38;
	[tilespmem:$0x7A40] =	vst v63  }
0x68: {  	_ =	swait.ge [sflag:s11], $0x50  }
0x69: {  	[sflag:s11] =	ssyncset.done $0x0  }
0x6a: {  	[sflag:s11] =	ssyncadd.s32 $0xFFFFFFB0  }
0x6b: {  	v1 =	vld [tilespmem:$0x40]  }
0x6c: {  	v2 =	vld [tilespmem:$0x20]  }
0x6d: {  	v3 =	vld [tilespmem:$0x10]  }
0x6e: {  	v4 =	vld [tilespmem:$0x30]  }
0x6f: {  	v5 =	vld [tilespmem:$0x0]  }
0x70: {  	v6 =	vshrl.u32 v1, $0x3;
	v1 =	vand.u32 $0x7, v1  }
0x71: {  	[tilespmem:$0x40] =	vst v1  }
0x72: {  	v1 =	vshrl.u32 v3, $0x3;
	v3 =	vand.u32 $0x7, v3;
	[tilespmem:$0x140] =	vst v6  }
0x73: {  	[tilespmem:$0x110] =	vst v1;
	v1 =	vshrl.u32 v2, $0x3;
	v2 =	vand.u32 $0x7, v2;
	v6 =	vshrl.u32 v4, $0x3  }
0x74: {  	v4 =	vand.u32 $0x7, v4;
	v7 =	vshrl.u32 v5, $0x3;
	v5 =	vand.u32 $0x7, v5;
	[tilespmem:$0x130] =	vst v6  }
0x75: {  	[tilespmem:$0x100] =	vst v7  }
0x76: {  	[tilespmem:$0x10] =	vst v3  }
0x77: {  	[tilespmem:$0x0] =	vst v5  }
0x78: {  	[tilespmem:$0x30] =	vst v4  }
0x79: {  	[tilespmem:$0x20] =	vst v2  }
0x7a: {  	[tilespmem:$0x120] =	vst v1  }
0x7b: {  	[tilespmem:s10], [sflag:$0x1] =	stream.indirect.gather [spmem:s2], $0x80, s3, s13, $0xb8;
	[tilespmem:$0x7A40] =	vst v63  }
0x7c: {  	_ =	swait.ge [sflag:s14], $0x2800  }
0x7d: {  	[sflag:s14] =	ssyncset.done $0x0  }
0x7e: {  	s24 =	simm.s32 @!p2 $0x3;
	[sflag:s14] =	ssyncadd.s32 $0xFFFFD800  }
0x7f: {  	[spmem:s0] =	stream.indirect.scatter.add.f32 [tilespmem:s10], [sflag:$0x2], $0x80, s15, s13, $0xb8;
	[tilespmem:$0x7A40] =	vst v63  }
0x80: {  	_ =	swait.ge @!p2 [sflag:s24], $0x2800  }
0x81: {  	[sflag:s24] =	ssyncset.done @!p2 $0x0  }
0x82: {  	s23 =	sadd.s32 s23, s8;
	[sflag:s24] =	ssyncadd.s32 @!p2 $0xFFFFD800  }
0x83: {  	[tilespmem:s16], [sflag:$0x4] =	stream.linear.gather [hbm4b:s23+s3], $0x50, $0x38;
	[tilespmem:$0x7A40] =	vst v63  }
.Ltmp1:
0x84: {  	_ = 	snop;
	(pc) =	sbr.rel @p1 .LBB2_4-.Ltmp1, $4  }
0x85: {  	_ =	swait.ge [sflag:s11], $0x50  }
0x86: {  	[sflag:s11] =	ssyncset.done $0x0  }
0x87: {  	[sflag:s11] =	ssyncadd.s32 $0xFFFFFFB0  }
0x88: {  	v1 =	vld [tilespmem:$0xB0]  }
0x89: {  	_ = 	snop  }
0x8a: {  	v2 =	vld [tilespmem:$0x90]  }
0x8b: {  	v3 =	vld [tilespmem:$0xA0];
	_ =	sdelay $0x1  }
0x8c: {  	v4 =	vld [tilespmem:$0x80];
	v5 =	vshrl.u32 v1, $0x3  }
0x8d: {  	v1 =	vand.u32 $0x7, v1;
	[tilespmem:$0x1B0] =	vst v5  }
0x8e: {  	v6 =	vshrl.u32 v2, $0x3;
	[tilespmem:$0xB0] =	vst v1  }
0x8f: {  	v61 =	vld [tilespmem:$0xC0];
	v62 =	vshrl.u32 v3, $0x3;
	[tilespmem:$0x190] =	vst v6  }
0x90: {  	v2 =	vand.u32 $0x7, v2;
	[tilespmem:$0x1A0] =	vst v62  }
0x91: {  	v63 =	vand.u32 $0x7, v4;
	[tilespmem:$0x90] =	vst v2  }
0x92: {  	v2 =	vand.u32 $0x7, v3;
	[tilespmem:$0x80] =	vst v63  }
0x93: {  	v3 =	vshrl.u32 v4, $0x3;
	[tilespmem:$0xA0] =	vst v2  }
0x94: {  	v2 =	vshrl.u32 v61, $0x3;
	[tilespmem:$0x180] =	vst v3  }
0x95: {  	[tilespmem:$0x1C0] =	vst v2;
	v2 =	vand.u32 $0x7, v61  }
0x96: {  	[tilespmem:$0xC0] =	vst v2  }
0x97: {  	[tilespmem:s17], [sflag:$0x1] =	stream.indirect.gather [spmem:s2], $0x80, s16, s13, $0xb8;
	[tilespmem:$0x7A40] =	vst v63  }
0x98: {  	_ =	swait.ge [sflag:s14], $0x2800  }
0x99: {  	[sflag:s14] =	ssyncset.done $0x0  }
0x9a: {  	[sflag:s14] =	ssyncadd.s32 $0xFFFFD800  }
0x9b: {  	[spmem:s0] =	stream.indirect.scatter.add.f32 [tilespmem:s17], [sflag:$0x3], $0x80, s18, s13, $0xb8;
	[tilespmem:$0x7A40] =	vst v63  }
0x9c: {  	_ =	swait.ge [sflag:s19], $0x2800  }
0x9d: {  	[sflag:s19] =	ssyncset.done $0x0  }
0x9e: {  	[sflag:s19] =	ssyncadd.s32 $0xFFFFD800  }
0x9f: {  	_ =	swait.ge [sflag:s20], $0x2800  }
0xa0: {  	[sflag:s20] =	ssyncset.done $0x0  }
0xa1: {  	[sflag:s20] =	ssyncadd.s32 $0xFFFFD800  }
0xa2: {  	[bflag:$0x0] =	sbarrier.arrive $0xFFFF  }
0xa3: {  	[tilespmem:s10], [sflag:$0x4] =	stream.linear.gather [spmem:s5], $0x2800, $0x38;
	[tilespmem:$0x7A40] =	vst v63  }
0xa4: {  	s21 =	sadd.s32 $0x1, s21;
	_ =	swait.ge [sflag:s11], $0x2800  }
0xa5: {  	p1 =	sne.s32 s21, s7;
	[sflag:s11] =	ssyncset.done $0x0  }
.Ltmp2:
0xa6: {  	[sflag:s11] =	ssyncadd.s32 $0xFFFFD800;
	(pc) =	sbr.rel @p1 .LBB2_1-.Ltmp2, $4  }
0xa7: {  	[hbm4b:s6+s3] =	stream.linear.scatter [tilespmem:s10], [sflag:$0x4], $0x2800, $0x38;
	[tilespmem:$0x7A40] =	vst v63  }
0xa8: {  	_ =	swait.ge [sflag:s11], $0x2800  }
0xa9: {  	[sflag:s11] =	ssyncset.done $0x0  }
0xaa: {  	[sflag:s11] =	ssyncadd.s32 $0xFFFFD800  }
0xab: {  	_ =	sfence.sel $0x180000  }
0xac: {  	[bflag:$0x0] =	sbarrier.arrive $0xFFFF  }
0xad: {  	_ =	strace $0x90000047  }
0xae: {  	s0 =	sadd.s32 @!p0 $0x100000, s1;
	[bflag:$0x2] =	sbarrier.arrive $0xFFFF  }
0xaf: {  	[sflag:s0] =	ssyncadd.tile.s32 @!p0 $0x1;
	_ =	shalt  }
.Lfunc_end2:
_tile_overlayer_lowered:
.L_overlay_start_2:
0xb0: {  	(tag) =	ssettag $0x2  }
0xb1: {  	s0 =	rddreg [dreg:$0x0];
	s2 =	stileid.u32  }
0xb2: {  	s1 =	rddreg [dreg:$0x1];
	p0 =	sne.s32 s2, $0x0  }
0xb3: {  	s3 =	rddreg [dreg:$0x2];
	[bflag:$0x3] =	sbarrier.arrive $0xFFFF;
	s2 =	simm.s32 @!p0 $0x1C04  }
0xb4: {  	[timem:s3], [sflag:s2] =	dma.local @!p0 [hbm:s0], s1  }
0xb5: {  	s0 =	simm.s32 @!p0 $0x4  }
0xb6: {  	_ =	swait.ge @!p0 [sflag:s0], s1  }
0xb7: {  	s1 =	ssub.s32 @!p0 $0x0, s1;
	[sflag:s0] =	ssyncset.done @!p0 $0x0  }
0xb8: {  	[sflag:s0] =	ssyncadd.s32 @!p0 s1  }
0xb9: {  	[bflag:$0x3] =	sbarrier.arrive $0xFFFF  }
0xba: {  	_ =	shalt  }

</sc_bundles>
